<compile_context>
chip_gen: v7x
topology: tpu7x:2x2x1
jax: 0.10.2.dev20260603
libtpu: 0.0.44.dev20260713+nightly
codegen_flags: <defaults>
</compile_context>

<pallas_src>
import functools

import numpy as np
import jax
import jax.numpy as jnp
from jax import lax
from jax.experimental import pallas as pl
from jax.experimental.pallas import tpu as pltpu
from jax.experimental.pallas import tpu_sc as plsc

_NA = 9
_PRE = 6000
_POST = 300
_THR = 0.7
_H = 64
_W = 64
_PIX = _H * _W
_TOT = _PIX * _NA
_ROWS = _TOT // 128
_MINI = np.int32(-2**31)


def _anchor_geom():
    ratios = np.array([0.5, 1.0, 2.0])
    scales = np.array([8.0, 16.0, 32.0])
    base = 16.0
    ctr = 0.5 * (base - 1.0)
    ws0 = np.round(np.sqrt(base * base / ratios))
    hs0 = np.round(ws0 * ratios)
    aw, ah = [], []
    for i in range(3):
        for s in scales:
            aw.append(ws0[i] * s)
            ah.append(hs0[i] * s)
    aw = np.array(aw, np.float32)
    ah = np.array(ah, np.float32)
    x1 = (ctr - 0.5 * (aw - 1.0)).astype(np.float32)
    y1 = (ctr - 0.5 * (ah - 1.0)).astype(np.float32)
    acx = (x1 + 0.5 * aw).astype(np.float32)
    acy = (y1 + 0.5 * ah).astype(np.float32)
    return np.stack([aw, ah, acx, acy]).astype(np.float32)


_AGEOM = _anchor_geom()


def _head_body(xpad_ref, w9_ref, cb_ref, cw_ref, cbb_ref, bw_ref, bbb_ref,
               geo_ref, ag_ref, sc_ref, x1_ref, y1_ref, x2_ref, y2_ref):
    acc = jnp.zeros((_PIX, 512), jnp.float32)
    for k in range(9):
        ky, kx = divmod(k, 3)
        patch = xpad_ref[ky:ky + _H, kx:kx + _W, :].reshape(_PIX, 256)
        acc = acc + jnp.dot(patch, w9_ref[k],
                            preferred_element_type=jnp.float32)
    rpn = jnp.maximum(acc + cb_ref[...], 0.0)

    cls = jnp.dot(rpn, cw_ref[...],
                  preferred_element_type=jnp.float32) + cbb_ref[...]
    s0 = cls[:, 0:_NA]
    s1 = cls[:, _NA:2 * _NA]
    mx = jnp.maximum(s0, s1)
    e0 = jnp.exp(s0 - mx)
    e1 = jnp.exp(s1 - mx)
    scores = e1 / (e0 + e1)

    boxd = jnp.dot(rpn, bw_ref[...],
                   preferred_element_type=jnp.float32) + bbb_ref[...]
    dx = boxd[:, 0:9]
    dy = boxd[:, 9:18]
    dw = boxd[:, 18:27]
    dh = boxd[:, 27:36]

    aw = ag_ref[0:1, :]
    ah = ag_ref[1:2, :]
    pix = jax.lax.broadcasted_iota(jnp.int32, (_PIX, _NA), 0)
    px = ((pix % _W) * 16).astype(jnp.float32)
    py = ((pix // _W) * 16).astype(jnp.float32)
    cx = ag_ref[2:3, :] + px
    cy = ag_ref[3:4, :] + py

    pcx = dx * aw + cx
    pcy = dy * ah + cy
    pw = jnp.exp(dw) * aw
    ph = jnp.exp(dh) * ah
    x1 = pcx - 0.5 * pw
    y1 = pcy - 0.5 * ph
    x2 = pcx + 0.5 * pw
    y2 = pcy + 0.5 * ph

    Hm1 = geo_ref[0:1, 0:1] - 1.0
    Wm1 = geo_ref[0:1, 1:2] - 1.0
    msz = 16.0 * geo_ref[0:1, 2:3]
    x1c = jnp.clip(x1, 0.0, Wm1)
    y1c = jnp.clip(y1, 0.0, Hm1)
    x2c = jnp.clip(x2, 0.0, Wm1)
    y2c = jnp.clip(y2, 0.0, Hm1)

    ws = x2c - x1c + 1.0
    hs = y2c - y1c + 1.0
    valid = (ws >= msz) & (hs >= msz)
    sc_ref[...] = jnp.where(valid, scores, -1e9)
    x1_ref[...] = x1c
    y1_ref[...] = y1c
    x2_ref[...] = x2c
    y2_ref[...] = y2c


_NWK = 16
_CHUNK = _TOT // _NWK
_CAP = 6144
_OUTW = _CAP + 128
_CROWS = _OUTW // 128


def _thresh_body(sc_ref, sm_ref, base_ref):
    s = sc_ref[...]
    bits = jax.lax.bitcast_convert_type(s, jnp.int32)
    key = bits ^ ((bits >> 31) & np.int32(0x7FFFFFFF))
    tu = jnp.int32(0)
    for b in range(31, -1, -1):
        bit = _MINI if b == 31 else np.int32(1 << b)
        cand = tu | bit
        cnt = jnp.sum((key >= (cand ^ _MINI)).astype(jnp.int32))
        tu = jnp.where(cnt >= _PRE, cand, tu)
    kt = tu ^ _MINI
    mask = key >= kt
    sm_ref[...] = jnp.where(mask, s, -jnp.inf)
    mi = mask.astype(jnp.int32)
    rit = jax.lax.broadcasted_iota(jnp.int32, (_ROWS, 128), 0)
    l32 = jax.lax.broadcasted_iota(jnp.int32, (1, 32), 1)
    bases = jnp.zeros((1, 32), jnp.int32)
    rows_per_chunk = _ROWS // _NWK
    for w in range(_NWK):
        bw = jnp.sum(jnp.where(rit < w * rows_per_chunk, mi, 0))
        bases = jnp.where(l32 == w, bw, bases)
    total = jnp.minimum(jnp.sum(mi), _CAP)
    bases = jnp.where(l32 == _NWK, total, bases)
    base_ref[...] = bases


def _compact_body(sm_hbm, x1_hbm, y1_hbm, x2_hbm, y2_hbm, bases_hbm,
                  os_hbm, ox1_hbm, oy1_hbm, ox2_hbm, oy2_hbm,
                  s_v, x1_v, y1_v, x2_v, y2_v, bas_v, idx_v,
                  sh_s, sh_x1, sh_y1, sh_x2, sh_y2, sem):
    wid = lax.axis_index("s")
    ebase = wid * _CHUNK

    pltpu.sync_copy(sm_hbm.at[pl.ds(ebase, _CHUNK)], s_v)
    pltpu.sync_copy(x1_hbm.at[pl.ds(ebase, _CHUNK)], x1_v)
    pltpu.sync_copy(y1_hbm.at[pl.ds(ebase, _CHUNK)], y1_v)
    pltpu.sync_copy(x2_hbm.at[pl.ds(ebase, _CHUNK)], x2_v)
    pltpu.sync_copy(y2_hbm.at[pl.ds(ebase, _CHUNK)], y2_v)
    pltpu.sync_copy(bases_hbm.at[pl.ds(0, 16)], bas_v)

    li = lax.iota(jnp.int32, 16)
    mybase = jnp.sum(jnp.where(li == wid, bas_v[...], 0))

    ngrp = _CHUNK // 128

    def build(g, off):
        for j in range(8):
            k = g * 8 + j
            v = s_v[pl.ds(k * 16, 16)]
            m = v > -jnp.inf
            mi = m.astype(jnp.int32)
            inc = plsc.cumsum(mi)
            pos = jnp.broadcast_to(off, (16,)) + (inc - mi)
            pos = jnp.where(m & (pos < _CAP), pos, _CAP)
            idx_v[g, pl.ds(j * 16, 16)] = pos
            off = off + jnp.sum(mi)
        return off

    lax.fori_loop(0, ngrp, build, mybase)

    def _cps(g):
        return [
            pltpu.make_async_copy(s_v.at[pl.ds(g * 128, 128)],
                                  sh_s.at[idx_v.at[g]], sem),
            pltpu.make_async_copy(x1_v.at[pl.ds(g * 128, 128)],
                                  sh_x1.at[idx_v.at[g]], sem),
            pltpu.make_async_copy(y1_v.at[pl.ds(g * 128, 128)],
                                  sh_y1.at[idx_v.at[g]], sem),
            pltpu.make_async_copy(x2_v.at[pl.ds(g * 128, 128)],
                                  sh_x2.at[idx_v.at[g]], sem),
            pltpu.make_async_copy(y2_v.at[pl.ds(g * 128, 128)],
                                  sh_y2.at[idx_v.at[g]], sem),
        ]

    def fire(g, carry):
        for cp in _cps(g):
            cp.start()
        return carry

    def drain(g, carry):
        for cp in _cps(g):
            cp.wait()
        return carry

    lax.fori_loop(0, ngrp, fire, jnp.int32(0))
    lax.fori_loop(0, ngrp, drain, jnp.int32(0))

    plsc.subcore_barrier()

    slab = _CAP // _NWK
    sl = pl.ds(wid * slab, slab)
    pltpu.sync_copy(sh_s.at[sl], os_hbm.at[sl])
    pltpu.sync_copy(sh_x1.at[sl], ox1_hbm.at[sl])
    pltpu.sync_copy(sh_y1.at[sl], oy1_hbm.at[sl])
    pltpu.sync_copy(sh_x2.at[sl], ox2_hbm.at[sl])
    pltpu.sync_copy(sh_y2.at[sl], oy2_hbm.at[sl])


def _nms_body(sc_ref, x1_ref, y1_ref, x2_ref, y2_ref, cnt_ref, out_ref):
    x1 = x1_ref[...]
    y1 = y1_ref[...]
    x2 = x2_ref[...]
    y2 = y2_ref[...]
    cnt = cnt_ref[0:1, _NWK:_NWK + 1]
    fidx = (jax.lax.broadcasted_iota(jnp.int32, (_CROWS, 128), 0) * 128
            + jax.lax.broadcasted_iota(jnp.int32, (_CROWS, 128), 1))
    s = jnp.where(fidx < cnt, sc_ref[...], -jnp.inf)

    areas = (x2 - x1 + 1.0) * (y2 - y1 + 1.0)
    xp2 = x2 + 1.0
    yp2 = y2 + 1.0
    l8 = jax.lax.broadcasted_iota(jnp.int32, (1, 8), 1)

    def body(i, carry):
        s, fx1, fy1, fx2, fy2 = carry
        m = jnp.max(s)
        neg = m == -jnp.inf
        sel = s == m
        bx1 = jnp.where(neg, fx1, jnp.sum(jnp.where(sel, x1, 0.0)))
        by1 = jnp.where(neg, fy1, jnp.sum(jnp.where(sel, y1, 0.0)))
        bx2 = jnp.where(neg, fx2, jnp.sum(jnp.where(sel, x2, 0.0)))
        by2 = jnp.where(neg, fy2, jnp.sum(jnp.where(sel, y2, 0.0)))
        first = i == 0
        fx1 = jnp.where(first, bx1, fx1)
        fy1 = jnp.where(first, by1, fy1)
        fx2 = jnp.where(first, bx2, fx2)
        fy2 = jnp.where(first, by2, fy2)
        bar = (bx2 - bx1 + 1.0) * (by2 - by1 + 1.0)
        iw = jnp.maximum(0.0, jnp.minimum(bx2 + 1.0, xp2)
                         - jnp.maximum(bx1, x1))
        ih = jnp.maximum(0.0, jnp.minimum(by2 + 1.0, yp2)
                         - jnp.maximum(by1, y1))
        inter = iw * ih
        den = (areas + bar) - inter
        s = jnp.where(inter > _THR * den, -jnp.inf, s)
        nr = jnp.where(l8 == 1, bx1,
                       jnp.where(l8 == 2, by1,
                                 jnp.where(l8 == 3, bx2,
                                           jnp.where(l8 == 4, by2, 0.0))))
        out_ref[pl.ds(i, 1), :] = nr
        return s, fx1, fy1, fx2, fy2

    z = jnp.float32(0.0)
    jax.lax.fori_loop(0, _POST, body, (s, z, z, z, z))


def _run_head(xpad, w9, cb, cw, cbb, bw, bbb, geo, interpret=False):
    shp = jax.ShapeDtypeStruct((_PIX, _NA), jnp.float32)
    return pl.pallas_call(
        _head_body,
        out_shape=[shp] * 5,
        interpret=interpret,
    )(xpad, w9, cb, cw, cbb, bw, bbb, geo, jnp.asarray(_AGEOM))


def _run_thresh(sc, interpret=False):
    return pl.pallas_call(
        _thresh_body,
        out_shape=[jax.ShapeDtypeStruct((_ROWS, 128), jnp.float32),
                   jax.ShapeDtypeStruct((1, 32), jnp.int32)],
        interpret=interpret,
    )(sc)


def _run_compact(sm, x1, y1, x2, y2, bases):
    mesh = plsc.VectorSubcoreMesh(core_axis_name="c", subcore_axis_name="s",
                                  num_cores=1)
    f32 = jnp.float32
    kern = functools.partial(
        pl.kernel,
        mesh=mesh,
        compiler_params=pltpu.CompilerParams(needs_layout_passes=False),
        out_type=[jax.ShapeDtypeStruct((_OUTW,), f32)] * 5,
        scratch_types=[
            pltpu.VMEM((_CHUNK,), f32),
            pltpu.VMEM((_CHUNK,), f32),
            pltpu.VMEM((_CHUNK,), f32),
            pltpu.VMEM((_CHUNK,), f32),
            pltpu.VMEM((_CHUNK,), f32),
            pltpu.VMEM((16,), jnp.int32),
            pltpu.VMEM((_CHUNK // 128, 128), jnp.int32),
            pltpu.VMEM_SHARED((_OUTW,), f32),
            pltpu.VMEM_SHARED((_OUTW,), f32),
            pltpu.VMEM_SHARED((_OUTW,), f32),
            pltpu.VMEM_SHARED((_OUTW,), f32),
            pltpu.VMEM_SHARED((_OUTW,), f32),
            pltpu.SemaphoreType.DMA,
        ],
    )(_compact_body)
    return kern(sm, x1, y1, x2, y2, bases)


def _run_nms(sc, x1, y1, x2, y2, cnt, interpret=False):
    return pl.pallas_call(
        _nms_body,
        out_shape=jax.ShapeDtypeStruct((304, 8), jnp.float32),
        interpret=interpret,
    )(sc, x1, y1, x2, y2, cnt)


def _kernel_impl(features, gt_boxes, im_info, conv_w, conv_b, cls_w, cls_b,
                 box_w, box_b, interpret=False):
    x = features[0].transpose(1, 2, 0)
    xpad = jnp.pad(x, ((1, 1), (1, 1), (0, 0)))
    w9 = conv_w.transpose(2, 3, 1, 0).reshape(9, 256, 512)
    cb = conv_b.reshape(1, 512)
    cw = cls_w[:, :, 0, 0].T
    cbb = cls_b.reshape(1, 18)
    perm = np.array([a * 4 + d for d in range(4) for a in range(_NA)])
    bw = box_w[:, :, 0, 0].T[:, perm]
    bbb = box_b[perm].reshape(1, 36)
    geo = jnp.pad(im_info, ((0, 0), (0, 125)))

    sc, x1, y1, x2, y2 = _run_head(xpad, w9, cb, cw, cbb, bw, bbb, geo,
                                   interpret=interpret)

    def _r(t):
        return t.reshape(_TOT).reshape(_ROWS, 128)

    sm, bases = _run_thresh(_r(sc), interpret=interpret)
    cs, cx1, cy1, cx2, cy2 = _run_compact(
        sm.reshape(_TOT), x1.reshape(_TOT), y1.reshape(_TOT),
        x2.reshape(_TOT), y2.reshape(_TOT), bases.reshape(32))

    def _c(t):
        return t.reshape(_CROWS, 128)

    out = _run_nms(_c(cs), _c(cx1), _c(cy1), _c(cx2), _c(cy2), bases,
                   interpret=interpret)
    return out[:_POST, :5]


def kernel(features, gt_boxes, im_info, conv_w, conv_b, cls_w, cls_b,
           box_w, box_b):
    return _kernel_impl(features, gt_boxes, im_info, conv_w, conv_b,
                        cls_w, cls_b, box_w, box_b)

# --- scband reference (transcript-rebuilt; emitter-appended) ---
"""Pipeline reference for scband-rpn-12369505813076 (READ-ONLY COPY).

The authoritative reference and input builder live on the scoring server;
editing this copy changes nothing except your own understanding.
"""

import jax, jax.numpy as jnp
import numpy as np

N_ANCHORS = 9
FEAT_STRIDE = 16
PRE_NMS_TOPN = 6000
POST_NMS_TOPN = 300
NMS_THRESH = 0.7
MIN_SIZE = 16

def _whctrs(a):
    w = a[2] - a[0] + 1.0
    h = a[3] - a[1] + 1.0
    return w, h, a[0] + 0.5 * (w - 1), a[1] + 0.5 * (h - 1)

def _mkanchors(ws, hs, x, y):
    ws = ws[:, None]
    hs = hs[:, None]
    return np.hstack((x - 0.5 * (ws - 1), y - 0.5 * (hs - 1), x + 0.5 * (ws - 1), y + 0.5 * (hs - 1)))

def _ratio_enum(a, ratios):
    w, h, x, y = _whctrs(a)
    size = w * h
    ws = np.round(np.sqrt(size / np.array(ratios)))
    hs = np.round(ws * np.array(ratios))
    return _mkanchors(ws, hs, x, y)

def _scale_enum(a, scales):
    w, h, x, y = _whctrs(a)
    return _mkanchors(w * np.array(scales), h * np.array(scales), x, y)

def generate_anchors(base_size=16, ratios=(0.5, 1.0, 2.0), scales=(8, 16, 32)):
    base = np.array([1, 1, base_size, base_size], dtype=np.float64) - 1
    ra = _ratio_enum(base, ratios)
    return np.vstack([_scale_enum(ra[i], scales) for i in range(ra.shape[0])]).astype(np.float32)

def conv2d(x, w, b, pad):
    y = jax.lax.conv_general_dilated(x, w, (1, 1), [(pad, pad), (pad, pad)], dimension_numbers=('NCHW', 'OIHW', 'NCHW'))
    return y + b[None, :, None, None]

def bbox_transform_inv(boxes, deltas):
    ws = boxes[:, 2] - boxes[:, 0] + 1.0
    hs = boxes[:, 3] - boxes[:, 1] + 1.0
    cx = boxes[:, 0] + 0.5 * ws
    cy = boxes[:, 1] + 0.5 * hs
    dx, dy, dw, dh = deltas[:, 0], deltas[:, 1], deltas[:, 2], deltas[:, 3]
    pcx = dx * ws + cx
    pcy = dy * hs + cy
    pw = jnp.exp(dw) * ws
    ph = jnp.exp(dh) * hs
    return jnp.stack([pcx - 0.5 * pw, pcy - 0.5 * ph, pcx + 0.5 * pw, pcy + 0.5 * ph], axis=1)

def clip_boxes(boxes, im_info):
    H = im_info[0, 0]
    W = im_info[0, 1]
    x1 = jnp.clip(boxes[:, 0], 0.0, W - 1.0)
    y1 = jnp.clip(boxes[:, 1], 0.0, H - 1.0)
    x2 = jnp.clip(boxes[:, 2], 0.0, W - 1.0)
    y2 = jnp.clip(boxes[:, 3], 0.0, H - 1.0)
    return jnp.stack([x1, y1, x2, y2], axis=1)

def nms(boxes, scores, thresh, k):
    x1, y1, x2, y2 = boxes[:, 0], boxes[:, 1], boxes[:, 2], boxes[:, 3]
    areas = (x2 - x1 + 1.0) * (y2 - y1 + 1.0)
    def body(i, state):
        s, keep = state
        j = jnp.argmax(s)
        keep = keep.at[i].set(j.astype(jnp.int32))
        xx1 = jnp.maximum(x1[j], x1)
        yy1 = jnp.maximum(y1[j], y1)
        xx2 = jnp.minimum(x2[j], x2)
        yy2 = jnp.minimum(y2[j], y2)
        iw = jnp.maximum(0.0, xx2 - xx1 + 1.0)
        ih = jnp.maximum(0.0, yy2 - yy1 + 1.0)
        inter = iw * ih
        ovr = inter / (areas[j] + areas - inter)
        s = jnp.where(ovr > thresh, -jnp.inf, s)
        return s, keep
    s, keep = jax.lax.fori_loop(0, k, body, (scores, jnp.zeros((k,), jnp.int32)))
    return keep

def get_proposals(cls_prob, box_reg, im_info):
    b, _, h, w = cls_prob.shape
    scores = cls_prob[:, N_ANCHORS:, :, :].transpose(0, 2, 3, 1).reshape(-1)
    deltas = box_reg.transpose(0, 2, 3, 1).reshape(-1, 4)
    anchors = jnp.asarray(generate_anchors(FEAT_STRIDE))
    sx = np.arange(w) * FEAT_STRIDE
    sy = np.arange(h) * FEAT_STRIDE
    sx, sy = np.meshgrid(sx, sy)
    shifts = jnp.asarray(np.stack([sx.ravel(), sy.ravel(), sx.ravel(), sy.ravel()], axis=1).astype(np.float32))
    all_anchors = (anchors[None, :, :] + shifts[:, None, :]).reshape(-1, 4)
    proposals = bbox_transform_inv(all_anchors, deltas)
    proposals = clip_boxes(proposals, im_info)
    min_size = MIN_SIZE * im_info[0, 2]
    ws = proposals[:, 2] - proposals[:, 0] + 1.0
    hs = proposals[:, 3] - proposals[:, 1] + 1.0
    valid = (ws >= min_size) & (hs >= min_size)
    scores = jnp.where(valid, scores, -1e9)
    top_scores, order = jax.lax.top_k(scores, PRE_NMS_TOPN)
    props = proposals[order]
    keep = nms(props, top_scores, NMS_THRESH, POST_NMS_TOPN)
    boxes = props[keep]
    return jnp.concatenate([jnp.zeros((POST_NMS_TOPN, 1), boxes.dtype), boxes], axis=1)

def setup_inputs(seed: int = 0):
    key = jax.random.key(seed)
    ks = jax.random.split(key, 8)
    features = jax.random.normal(ks[0], (1, 256, 64, 64), jnp.float32)
    gt_boxes = jax.random.uniform(ks[1], (1, 20, 5), jnp.float32)
    im_info = jnp.ones((1, 3), jnp.float32) * jnp.array([[1024.0, 1024.0, 1.0]], jnp.float32)
    conv_w = jax.random.normal(ks[2], (512, 256, 3, 3), jnp.float32) * 0.01
    conv_b = jnp.zeros((512,), jnp.float32)
    cls_w = jax.random.normal(ks[3], (18, 512, 1, 1), jnp.float32) * 0.01
    cls_b = jnp.zeros((18,), jnp.float32)
    box_w = jax.random.normal(ks[4], (36, 512, 1, 1), jnp.float32) * 0.01
    box_b = jnp.zeros((36,), jnp.float32)
    return {"features": features, "gt_boxes": gt_boxes, "im_info": im_info, "conv_w": conv_w, "conv_b": conv_b, "cls_w": cls_w, "cls_b": cls_b, "box_w": box_w, "box_b": box_b}

def reference(features, gt_boxes, im_info, conv_w, conv_b, cls_w, cls_b, box_w, box_b):
    bsize, _, h, w = features.shape
    rpn_feat = jax.nn.relu(conv2d(features, conv_w, conv_b, 1))
    cls_score = conv2d(rpn_feat, cls_w, cls_b, 0)
    cls_reshape = cls_score.reshape(bsize, 2, N_ANCHORS, h, w)
    cls_prob = jax.nn.softmax(cls_reshape, axis=1).reshape(bsize, 2 * N_ANCHORS, h, w)
    box_reg = conv2d(rpn_feat, box_w, box_b, 0)
    rois = get_proposals(jax.lax.stop_gradient(cls_prob), jax.lax.stop_gradient(box_reg), jax.lax.stop_gradient(im_info))
    rois = jax.lax.stop_gradient(rois)
    return rois

if __name__ == "__main__":
    import jax
    _d = setup_inputs()
    print(jax.jit(kernel)(*tuple(_d.values())))

</pallas_src>

<mosaic_0001>
#map = affine_map<(d0, d1) -> (0)>
module attributes {stable_mosaic.version = 14 : i64} {
  func.func @_compact_body(%arg0: i32, %arg1: i32, %arg2: memref<36864xf32, #tpu.memory_space<hbm>>, %arg3: memref<36864xf32, #tpu.memory_space<hbm>>, %arg4: memref<36864xf32, #tpu.memory_space<hbm>>, %arg5: memref<36864xf32, #tpu.memory_space<hbm>>, %arg6: memref<36864xf32, #tpu.memory_space<hbm>>, %arg7: memref<32xi32, #tpu.memory_space<hbm>>, %arg8: memref<6272xf32, #tpu.memory_space<hbm>>, %arg9: memref<6272xf32, #tpu.memory_space<hbm>>, %arg10: memref<6272xf32, #tpu.memory_space<hbm>>, %arg11: memref<6272xf32, #tpu.memory_space<hbm>>, %arg12: memref<6272xf32, #tpu.memory_space<hbm>>, %arg13: memref<2304xf32, #tpu.memory_space<vmem>>, %arg14: memref<2304xf32, #tpu.memory_space<vmem>>, %arg15: memref<2304xf32, #tpu.memory_space<vmem>>, %arg16: memref<2304xf32, #tpu.memory_space<vmem>>, %arg17: memref<2304xf32, #tpu.memory_space<vmem>>, %arg18: memref<16xi32, #tpu.memory_space<vmem>>, %arg19: memref<18x128xi32, #tpu.memory_space<vmem>>, %arg20: memref<6272xf32, #tpu.memory_space<vmem_shared>>, %arg21: memref<6272xf32, #tpu.memory_space<vmem_shared>>, %arg22: memref<6272xf32, #tpu.memory_space<vmem_shared>>, %arg23: memref<6272xf32, #tpu.memory_space<vmem_shared>>, %arg24: memref<6272xf32, #tpu.memory_space<vmem_shared>>, %arg25: memref<!tpu.dma_semaphore, #tpu.memory_space<semaphore_mem>>) attributes {dimension_semantics = [#tpu.dimension_semantics<core_parallel>, #tpu.dimension_semantics<subcore_parallel>], iteration_bounds = array<i64: 1, 16>, scalar_prefetch = 0 : i64, scratch_operands = 13 : i64, tpu.core_type = #tpu.core_type<sc_vector_subcore>, window_params = [{transform_indices = #map}, {transform_indices = #map}, {transform_indices = #map}, {transform_indices = #map}, {transform_indices = #map}, {transform_indices = #map}, {transform_indices = #map}, {transform_indices = #map}, {transform_indices = #map}, {transform_indices = #map}, {transform_indices = #map}]} {
    %mul3A = arith.constant 2304 : i32
    %mul3A_0 = arith.muli %arg1, %mul3A : i32
    "tpu.region"() ({
      %run_scoped3A = tpu.sem_alloc : memref<!tpu.dma_semaphore, #tpu.memory_space<semaphore_mem>>
      %dma_start3A = tpu.memref_slice %arg2[%mul3A_0] : memref<36864xf32, #tpu.memory_space<hbm>> -> memref<2304xf32, #tpu.memory_space<hbm>>
      %dma_start3A_25 = tpu.memref_slice %arg2[%mul3A_0] : memref<36864xf32, #tpu.memory_space<hbm>> -> memref<2304xf32, #tpu.memory_space<hbm>>
      tpu.enqueue_dma source(%dma_start3A_25 : memref<2304xf32, #tpu.memory_space<hbm>>) target(%arg13 : memref<2304xf32, #tpu.memory_space<vmem>>) target_semaphore(%run_scoped3A : memref<!tpu.dma_semaphore, #tpu.memory_space<semaphore_mem>>)
      %dma_wait3A = tpu.memref_slice %arg2[%mul3A_0] : memref<36864xf32, #tpu.memory_space<hbm>> -> memref<2304xf32, #tpu.memory_space<hbm>>
      %dma_wait3A_26 = tpu.memref_slice %arg2[%mul3A_0] : memref<36864xf32, #tpu.memory_space<hbm>> -> memref<2304xf32, #tpu.memory_space<hbm>>
      tpu.wait_dma2 semaphore(%run_scoped3A : memref<!tpu.dma_semaphore, #tpu.memory_space<semaphore_mem>>) src(%dma_wait3A_26 : memref<2304xf32, #tpu.memory_space<hbm>>) dst(%arg13 : memref<2304xf32, #tpu.memory_space<vmem>>)
      tpu.yield
    }) : () -> ()
    "tpu.region"() ({
      %run_scoped3A = tpu.sem_alloc : memref<!tpu.dma_semaphore, #tpu.memory_space<semaphore_mem>>
      %dma_start3A = tpu.memref_slice %arg3[%mul3A_0] : memref<36864xf32, #tpu.memory_space<hbm>> -> memref<2304xf32, #tpu.memory_space<hbm>>
      %dma_start3A_25 = tpu.memref_slice %arg3[%mul3A_0] : memref<36864xf32, #tpu.memory_space<hbm>> -> memref<2304xf32, #tpu.memory_space<hbm>>
      tpu.enqueue_dma source(%dma_start3A_25 : memref<2304xf32, #tpu.memory_space<hbm>>) target(%arg14 : memref<2304xf32, #tpu.memory_space<vmem>>) target_semaphore(%run_scoped3A : memref<!tpu.dma_semaphore, #tpu.memory_space<semaphore_mem>>)
      %dma_wait3A = tpu.memref_slice %arg3[%mul3A_0] : memref<36864xf32, #tpu.memory_space<hbm>> -> memref<2304xf32, #tpu.memory_space<hbm>>
      %dma_wait3A_26 = tpu.memref_slice %arg3[%mul3A_0] : memref<36864xf32, #tpu.memory_space<hbm>> -> memref<2304xf32, #tpu.memory_space<hbm>>
      tpu.wait_dma2 semaphore(%run_scoped3A : memref<!tpu.dma_semaphore, #tpu.memory_space<semaphore_mem>>) src(%dma_wait3A_26 : memref<2304xf32, #tpu.memory_space<hbm>>) dst(%arg14 : memref<2304xf32, #tpu.memory_space<vmem>>)
      tpu.yield
    }) : () -> ()
    "tpu.region"() ({
      %run_scoped3A = tpu.sem_alloc : memref<!tpu.dma_semaphore, #tpu.memory_space<semaphore_mem>>
      %dma_start3A = tpu.memref_slice %arg4[%mul3A_0] : memref<36864xf32, #tpu.memory_space<hbm>> -> memref<2304xf32, #tpu.memory_space<hbm>>
      %dma_start3A_25 = tpu.memref_slice %arg4[%mul3A_0] : memref<36864xf32, #tpu.memory_space<hbm>> -> memref<2304xf32, #tpu.memory_space<hbm>>
      tpu.enqueue_dma source(%dma_start3A_25 : memref<2304xf32, #tpu.memory_space<hbm>>) target(%arg15 : memref<2304xf32, #tpu.memory_space<vmem>>) target_semaphore(%run_scoped3A : memref<!tpu.dma_semaphore, #tpu.memory_space<semaphore_mem>>)
      %dma_wait3A = tpu.memref_slice %arg4[%mul3A_0] : memref<36864xf32, #tpu.memory_space<hbm>> -> memref<2304xf32, #tpu.memory_space<hbm>>
      %dma_wait3A_26 = tpu.memref_slice %arg4[%mul3A_0] : memref<36864xf32, #tpu.memory_space<hbm>> -> memref<2304xf32, #tpu.memory_space<hbm>>
      tpu.wait_dma2 semaphore(%run_scoped3A : memref<!tpu.dma_semaphore, #tpu.memory_space<semaphore_mem>>) src(%dma_wait3A_26 : memref<2304xf32, #tpu.memory_space<hbm>>) dst(%arg15 : memref<2304xf32, #tpu.memory_space<vmem>>)
      tpu.yield
    }) : () -> ()
    "tpu.region"() ({
      %run_scoped3A = tpu.sem_alloc : memref<!tpu.dma_semaphore, #tpu.memory_space<semaphore_mem>>
      %dma_start3A = tpu.memref_slice %arg5[%mul3A_0] : memref<36864xf32, #tpu.memory_space<hbm>> -> memref<2304xf32, #tpu.memory_space<hbm>>
      %dma_start3A_25 = tpu.memref_slice %arg5[%mul3A_0] : memref<36864xf32, #tpu.memory_space<hbm>> -> memref<2304xf32, #tpu.memory_space<hbm>>
      tpu.enqueue_dma source(%dma_start3A_25 : memref<2304xf32, #tpu.memory_space<hbm>>) target(%arg16 : memref<2304xf32, #tpu.memory_space<vmem>>) target_semaphore(%run_scoped3A : memref<!tpu.dma_semaphore, #tpu.memory_space<semaphore_mem>>)
      %dma_wait3A = tpu.memref_slice %arg5[%mul3A_0] : memref<36864xf32, #tpu.memory_space<hbm>> -> memref<2304xf32, #tpu.memory_space<hbm>>
      %dma_wait3A_26 = tpu.memref_slice %arg5[%mul3A_0] : memref<36864xf32, #tpu.memory_space<hbm>> -> memref<2304xf32, #tpu.memory_space<hbm>>
      tpu.wait_dma2 semaphore(%run_scoped3A : memref<!tpu.dma_semaphore, #tpu.memory_space<semaphore_mem>>) src(%dma_wait3A_26 : memref<2304xf32, #tpu.memory_space<hbm>>) dst(%arg16 : memref<2304xf32, #tpu.memory_space<vmem>>)
      tpu.yield
    }) : () -> ()
    "tpu.region"() ({
      %run_scoped3A = tpu.sem_alloc : memref<!tpu.dma_semaphore, #tpu.memory_space<semaphore_mem>>
      %dma_start3A = tpu.memref_slice %arg6[%mul3A_0] : memref<36864xf32, #tpu.memory_space<hbm>> -> memref<2304xf32, #tpu.memory_space<hbm>>
      %dma_start3A_25 = tpu.memref_slice %arg6[%mul3A_0] : memref<36864xf32, #tpu.memory_space<hbm>> -> memref<2304xf32, #tpu.memory_space<hbm>>
      tpu.enqueue_dma source(%dma_start3A_25 : memref<2304xf32, #tpu.memory_space<hbm>>) target(%arg17 : memref<2304xf32, #tpu.memory_space<vmem>>) target_semaphore(%run_scoped3A : memref<!tpu.dma_semaphore, #tpu.memory_space<semaphore_mem>>)
      %dma_wait3A = tpu.memref_slice %arg6[%mul3A_0] : memref<36864xf32, #tpu.memory_space<hbm>> -> memref<2304xf32, #tpu.memory_space<hbm>>
      %dma_wait3A_26 = tpu.memref_slice %arg6[%mul3A_0] : memref<36864xf32, #tpu.memory_space<hbm>> -> memref<2304xf32, #tpu.memory_space<hbm>>
      tpu.wait_dma2 semaphore(%run_scoped3A : memref<!tpu.dma_semaphore, #tpu.memory_space<semaphore_mem>>) src(%dma_wait3A_26 : memref<2304xf32, #tpu.memory_space<hbm>>) dst(%arg17 : memref<2304xf32, #tpu.memory_space<vmem>>)
      tpu.yield
    }) : () -> ()
    "tpu.region"() ({
      %run_scoped3A = tpu.sem_alloc : memref<!tpu.dma_semaphore, #tpu.memory_space<semaphore_mem>>
      %dma_start3A = arith.constant 0 : i32
      %dma_start3A_25 = tpu.memref_slice %arg7[%dma_start3A] : memref<32xi32, #tpu.memory_space<hbm>> -> memref<16xi32, #tpu.memory_space<hbm>>
      %dma_start3A_26 = arith.constant 0 : i32
      %dma_start3A_27 = tpu.memref_slice %arg7[%dma_start3A_26] : memref<32xi32, #tpu.memory_space<hbm>> -> memref<16xi32, #tpu.memory_space<hbm>>
      tpu.enqueue_dma source(%dma_start3A_27 : memref<16xi32, #tpu.memory_space<hbm>>) target(%arg18 : memref<16xi32, #tpu.memory_space<vmem>>) target_semaphore(%run_scoped3A : memref<!tpu.dma_semaphore, #tpu.memory_space<semaphore_mem>>)
      %dma_wait3A = arith.constant 0 : i32
      %dma_wait3A_28 = tpu.memref_slice %arg7[%dma_wait3A] : memref<32xi32, #tpu.memory_space<hbm>> -> memref<16xi32, #tpu.memory_space<hbm>>
      %dma_wait3A_29 = arith.constant 0 : i32
      %dma_wait3A_30 = tpu.memref_slice %arg7[%dma_wait3A_29] : memref<32xi32, #tpu.memory_space<hbm>> -> memref<16xi32, #tpu.memory_space<hbm>>
      tpu.wait_dma2 semaphore(%run_scoped3A : memref<!tpu.dma_semaphore, #tpu.memory_space<semaphore_mem>>) src(%dma_wait3A_30 : memref<16xi32, #tpu.memory_space<hbm>>) dst(%arg18 : memref<16xi32, #tpu.memory_space<vmem>>)
      tpu.yield
    }) : () -> ()
    %iota3A = tpu.iota {dimensions = array<i32: 0>} : vector<16xi32>
    %eq3A = vector.broadcast %arg1 : i32 to vector<16xi32>
    %eq3A_1 = arith.cmpi eq, %iota3A, %eq3A : vector<16xi32>
    %get3A = arith.constant 0 : index
    %get3A_2 = tpu.vector_load %arg18[%get3A] {strides = array<i32>} : memref<16xi32, #tpu.memory_space<vmem>>, vector<16xi32>,
    %jit3A = arith.constant 0 : i32
    %broadcast_in_dim3A = vector.broadcast %jit3A : i32 to vector<16xi32>
    %select_n3A = arith.select %eq3A_1, %get3A_2, %broadcast_in_dim3A : vector<16xi1>, vector<16xi32>
    %reduce_sum3A = arith.constant true
    %reduce_sum3A_3 = vector.broadcast %reduce_sum3A : i1 to vector<16xi1>
    %reduce_sum3A_4 = tpu.scan <sum>, %select_n3A masked %reduce_sum3A_3 : vector<16xi32>, vector<16xi1> -> vector<16xi32>
    %reduce_sum3A_5 = vector.extract %reduce_sum3A_4[15] : i32 from vector<16xi32>
    %scan3A = arith.constant 0 : i32
    %scan3A_6 = arith.constant 18 : i32
    %scan3A_7 = arith.addi %scan3A, %scan3A_6 : i32
    %scan3A_8 = arith.constant 1 : i32
    %scan3A_9 = scf.for %scan3A_25 = %scan3A to %scan3A_7 step %scan3A_8 iter_args(%scan3A_26 = %reduce_sum3A_5) -> (i32)  : i32 {
      %mul3A_27 = arith.constant 8 : i32
      %mul3A_28 = arith.muli %scan3A_25, %mul3A_27 : i32
      %add3A = arith.constant 0 : i32
      %add3A_29 = arith.addi %mul3A_28, %add3A : i32
      %mul3A_30 = arith.constant 16 : i32
      %mul3A_31 = arith.muli %add3A_29, %mul3A_30 : i32
      %get3A_32 = arith.index_cast %mul3A_31 : i32 to index
      %get3A_33 = tpu.vector_load %arg13[%get3A_32] {strides = array<i32>} : memref<2304xf32, #tpu.memory_space<vmem>>, vector<16xf32>,
      %gt3A = arith.constant 0xFF800000 : f32
      %gt3A_34 = vector.broadcast %gt3A : f32 to vector<16xf32>
      %gt3A_35 = arith.cmpf ogt, %get3A_33, %gt3A_34 : vector<16xf32>
      %convert_element_type3A = arith.extui %gt3A_35 : vector<16xi1> to vector<16xi32>
      %broadcast_in_dim3A_36 = arith.constant true
      %broadcast_in_dim3A_37 = vector.broadcast %broadcast_in_dim3A_36 : i1 to vector<16xi1>
      %masked_cumsum3A = tpu.scan <sum>, %convert_element_type3A masked %broadcast_in_dim3A_37 : vector<16xi32>, vector<16xi1> -> vector<16xi32>
      %broadcast_in_dim3A_38 = vector.broadcast %scan3A_26 : i32 to vector<16xi32>
      %sub3A = arith.subi %masked_cumsum3A, %convert_element_type3A : vector<16xi32>
      %add3A_39 = arith.addi %broadcast_in_dim3A_38, %sub3A : vector<16xi32>
      %lt3A = arith.constant 6144 : i32
      %lt3A_40 = vector.broadcast %lt3A : i32 to vector<16xi32>
      %lt3A_41 = arith.cmpi slt, %add3A_39, %lt3A_40 : vector<16xi32>
      %and3A = arith.andi %gt3A_35, %lt3A_41 : vector<16xi1>
      %jit3A_42 = arith.constant 6144 : i32
      %broadcast_in_dim3A_43 = vector.broadcast %jit3A_42 : i32 to vector<16xi32>
      %select_n3A_44 = arith.select %and3A, %add3A_39, %broadcast_in_dim3A_43 : vector<16xi1>, vector<16xi32>
      %swap3A = arith.index_cast %scan3A_25 : i32 to index
      %swap3A_45 = arith.constant 0 : index
      %swap3A_46 = tpu.vector_load %arg19[%swap3A, %swap3A_45] {strides = array<i32>} : memref<18x128xi32, #tpu.memory_space<vmem>>, vector<16xi32>,
      tpu.vector_store %arg19[%swap3A, %swap3A_45], %select_n3A_44 {strides = array<i32>} : memref<18x128xi32, #tpu.memory_space<vmem>>, vector<16xi32>,
      %reduce_sum3A_47 = arith.constant true
      %reduce_sum3A_48 = vector.broadcast %reduce_sum3A_47 : i1 to vector<16xi1>
      %reduce_sum3A_49 = tpu.scan <sum>, %convert_element_type3A masked %reduce_sum3A_48 : vector<16xi32>, vector<16xi1> -> vector<16xi32>
      %reduce_sum3A_50 = vector.extract %reduce_sum3A_49[15] : i32 from vector<16xi32>
      %add3A_51 = arith.addi %scan3A_26, %reduce_sum3A_50 : i32
      %mul3A_52 = arith.constant 8 : i32
      %mul3A_53 = arith.muli %scan3A_25, %mul3A_52 : i32
      %add3A_54 = arith.constant 1 : i32
      %add3A_55 = arith.addi %mul3A_53, %add3A_54 : i32
      %mul3A_56 = arith.constant 16 : i32
      %mul3A_57 = arith.muli %add3A_55, %mul3A_56 : i32
      %get3A_58 = arith.index_cast %mul3A_57 : i32 to index
      %get3A_59 = tpu.vector_load %arg13[%get3A_58] {strides = array<i32>} : memref<2304xf32, #tpu.memory_space<vmem>>, vector<16xf32>,
      %gt3A_60 = arith.constant 0xFF800000 : f32
      %gt3A_61 = vector.broadcast %gt3A_60 : f32 to vector<16xf32>
      %gt3A_62 = arith.cmpf ogt, %get3A_59, %gt3A_61 : vector<16xf32>
      %convert_element_type3A_63 = arith.extui %gt3A_62 : vector<16xi1> to vector<16xi32>
      %broadcast_in_dim3A_64 = arith.constant true
      %broadcast_in_dim3A_65 = vector.broadcast %broadcast_in_dim3A_64 : i1 to vector<16xi1>
      %masked_cumsum3A_66 = tpu.scan <sum>, %convert_element_type3A_63 masked %broadcast_in_dim3A_65 : vector<16xi32>, vector<16xi1> -> vector<16xi32>
      %broadcast_in_dim3A_67 = vector.broadcast %add3A_51 : i32 to vector<16xi32>
      %sub3A_68 = arith.subi %masked_cumsum3A_66, %convert_element_type3A_63 : vector<16xi32>
      %add3A_69 = arith.addi %broadcast_in_dim3A_67, %sub3A_68 : vector<16xi32>
      %lt3A_70 = arith.constant 6144 : i32
      %lt3A_71 = vector.broadcast %lt3A_70 : i32 to vector<16xi32>
      %lt3A_72 = arith.cmpi slt, %add3A_69, %lt3A_71 : vector<16xi32>
      %and3A_73 = arith.andi %gt3A_62, %lt3A_72 : vector<16xi1>
      %jit3A_74 = arith.constant 6144 : i32
      %broadcast_in_dim3A_75 = vector.broadcast %jit3A_74 : i32 to vector<16xi32>
      %select_n3A_76 = arith.select %and3A_73, %add3A_69, %broadcast_in_dim3A_75 : vector<16xi1>, vector<16xi32>
      %swap3A_77 = arith.index_cast %scan3A_25 : i32 to index
      %swap3A_78 = arith.constant 16 : index
      %swap3A_79 = tpu.vector_load %arg19[%swap3A_77, %swap3A_78] {strides = array<i32>} : memref<18x128xi32, #tpu.memory_space<vmem>>, vector<16xi32>,
      tpu.vector_store %arg19[%swap3A_77, %swap3A_78], %select_n3A_76 {strides = array<i32>} : memref<18x128xi32, #tpu.memory_space<vmem>>, vector<16xi32>,
      %reduce_sum3A_80 = arith.constant true
      %reduce_sum3A_81 = vector.broadcast %reduce_sum3A_80 : i1 to vector<16xi1>
      %reduce_sum3A_82 = tpu.scan <sum>, %convert_element_type3A_63 masked %reduce_sum3A_81 : vector<16xi32>, vector<16xi1> -> vector<16xi32>
      %reduce_sum3A_83 = vector.extract %reduce_sum3A_82[15] : i32 from vector<16xi32>
      %add3A_84 = arith.addi %add3A_51, %reduce_sum3A_83 : i32
      %mul3A_85 = arith.constant 8 : i32
      %mul3A_86 = arith.muli %scan3A_25, %mul3A_85 : i32
      %add3A_87 = arith.constant 2 : i32
      %add3A_88 = arith.addi %mul3A_86, %add3A_87 : i32
      %mul3A_89 = arith.constant 16 : i32
      %mul3A_90 = arith.muli %add3A_88, %mul3A_89 : i32
      %get3A_91 = arith.index_cast %mul3A_90 : i32 to index
      %get3A_92 = tpu.vector_load %arg13[%get3A_91] {strides = array<i32>} : memref<2304xf32, #tpu.memory_space<vmem>>, vector<16xf32>,
      %gt3A_93 = arith.constant 0xFF800000 : f32
      %gt3A_94 = vector.broadcast %gt3A_93 : f32 to vector<16xf32>
      %gt3A_95 = arith.cmpf ogt, %get3A_92, %gt3A_94 : vector<16xf32>
      %convert_element_type3A_96 = arith.extui %gt3A_95 : vector<16xi1> to vector<16xi32>
      %broadcast_in_dim3A_97 = arith.constant true
      %broadcast_in_dim3A_98 = vector.broadcast %broadcast_in_dim3A_97 : i1 to vector<16xi1>
      %masked_cumsum3A_99 = tpu.scan <sum>, %convert_element_type3A_96 masked %broadcast_in_dim3A_98 : vector<16xi32>, vector<16xi1> -> vector<16xi32>
      %broadcast_in_dim3A_100 = vector.broadcast %add3A_84 : i32 to vector<16xi32>
      %sub3A_101 = arith.subi %masked_cumsum3A_99, %convert_element_type3A_96 : vector<16xi32>
      %add3A_102 = arith.addi %broadcast_in_dim3A_100, %sub3A_101 : vector<16xi32>
      %lt3A_103 = arith.constant 6144 : i32
      %lt3A_104 = vector.broadcast %lt3A_103 : i32 to vector<16xi32>
      %lt3A_105 = arith.cmpi slt, %add3A_102, %lt3A_104 : vector<16xi32>
      %and3A_106 = arith.andi %gt3A_95, %lt3A_105 : vector<16xi1>
      %jit3A_107 = arith.constant 6144 : i32
      %broadcast_in_dim3A_108 = vector.broadcast %jit3A_107 : i32 to vector<16xi32>
      %select_n3A_109 = arith.select %and3A_106, %add3A_102, %broadcast_in_dim3A_108 : vector<16xi1>, vector<16xi32>
      %swap3A_110 = arith.index_cast %scan3A_25 : i32 to index
      %swap3A_111 = arith.constant 32 : index
      %swap3A_112 = tpu.vector_load %arg19[%swap3A_110, %swap3A_111] {strides = array<i32>} : memref<18x128xi32, #tpu.memory_space<vmem>>, vector<16xi32>,
      tpu.vector_store %arg19[%swap3A_110, %swap3A_111], %select_n3A_109 {strides = array<i32>} : memref<18x128xi32, #tpu.memory_space<vmem>>, vector<16xi32>,
      %reduce_sum3A_113 = arith.constant true
      %reduce_sum3A_114 = vector.broadcast %reduce_sum3A_113 : i1 to vector<16xi1>
      %reduce_sum3A_115 = tpu.scan <sum>, %convert_element_type3A_96 masked %reduce_sum3A_114 : vector<16xi32>, vector<16xi1> -> vector<16xi32>
      %reduce_sum3A_116 = vector.extract %reduce_sum3A_115[15] : i32 from vector<16xi32>
      %add3A_117 = arith.addi %add3A_84, %reduce_sum3A_116 : i32
      %mul3A_118 = arith.constant 8 : i32
      %mul3A_119 = arith.muli %scan3A_25, %mul3A_118 : i32
      %add3A_120 = arith.constant 3 : i32
      %add3A_121 = arith.addi %mul3A_119, %add3A_120 : i32
      %mul3A_122 = arith.constant 16 : i32
      %mul3A_123 = arith.muli %add3A_121, %mul3A_122 : i32
      %get3A_124 = arith.index_cast %mul3A_123 : i32 to index
      %get3A_125 = tpu.vector_load %arg13[%get3A_124] {strides = array<i32>} : memref<2304xf32, #tpu.memory_space<vmem>>, vector<16xf32>,
      %gt3A_126 = arith.constant 0xFF800000 : f32
      %gt3A_127 = vector.broadcast %gt3A_126 : f32 to vector<16xf32>
      %gt3A_128 = arith.cmpf ogt, %get3A_125, %gt3A_127 : vector<16xf32>
      %convert_element_type3A_129 = arith.extui %gt3A_128 : vector<16xi1> to vector<16xi32>
      %broadcast_in_dim3A_130 = arith.constant true
      %broadcast_in_dim3A_131 = vector.broadcast %broadcast_in_dim3A_130 : i1 to vector<16xi1>
      %masked_cumsum3A_132 = tpu.scan <sum>, %convert_element_type3A_129 masked %broadcast_in_dim3A_131 : vector<16xi32>, vector<16xi1> -> vector<16xi32>
      %broadcast_in_dim3A_133 = vector.broadcast %add3A_117 : i32 to vector<16xi32>
      %sub3A_134 = arith.subi %masked_cumsum3A_132, %convert_element_type3A_129 : vector<16xi32>
      %add3A_135 = arith.addi %broadcast_in_dim3A_133, %sub3A_134 : vector<16xi32>
      %lt3A_136 = arith.constant 6144 : i32
      %lt3A_137 = vector.broadcast %lt3A_136 : i32 to vector<16xi32>
      %lt3A_138 = arith.cmpi slt, %add3A_135, %lt3A_137 : vector<16xi32>
      %and3A_139 = arith.andi %gt3A_128, %lt3A_138 : vector<16xi1>
      %jit3A_140 = arith.constant 6144 : i32
      %broadcast_in_dim3A_141 = vector.broadcast %jit3A_140 : i32 to vector<16xi32>
      %select_n3A_142 = arith.select %and3A_139, %add3A_135, %broadcast_in_dim3A_141 : vector<16xi1>, vector<16xi32>
      %swap3A_143 = arith.index_cast %scan3A_25 : i32 to index
      %swap3A_144 = arith.constant 48 : index
      %swap3A_145 = tpu.vector_load %arg19[%swap3A_143, %swap3A_144] {strides = array<i32>} : memref<18x128xi32, #tpu.memory_space<vmem>>, vector<16xi32>,
      tpu.vector_store %arg19[%swap3A_143, %swap3A_144], %select_n3A_142 {strides = array<i32>} : memref<18x128xi32, #tpu.memory_space<vmem>>, vector<16xi32>,
      %reduce_sum3A_146 = arith.constant true
      %reduce_sum3A_147 = vector.broadcast %reduce_sum3A_146 : i1 to vector<16xi1>
      %reduce_sum3A_148 = tpu.scan <sum>, %convert_element_type3A_129 masked %reduce_sum3A_147 : vector<16xi32>, vector<16xi1> -> vector<16xi32>
      %reduce_sum3A_149 = vector.extract %reduce_sum3A_148[15] : i32 from vector<16xi32>
      %add3A_150 = arith.addi %add3A_117, %reduce_sum3A_149 : i32
      %mul3A_151 = arith.constant 8 : i32
      %mul3A_152 = arith.muli %scan3A_25, %mul3A_151 : i32
      %add3A_153 = arith.constant 4 : i32
      %add3A_154 = arith.addi %mul3A_152, %add3A_153 : i32
      %mul3A_155 = arith.constant 16 : i32
      %mul3A_156 = arith.muli %add3A_154, %mul3A_155 : i32
      %get3A_157 = arith.index_cast %mul3A_156 : i32 to index
      %get3A_158 = tpu.vector_load %arg13[%get3A_157] {strides = array<i32>} : memref<2304xf32, #tpu.memory_space<vmem>>, vector<16xf32>,
      %gt3A_159 = arith.constant 0xFF800000 : f32
      %gt3A_160 = vector.broadcast %gt3A_159 : f32 to vector<16xf32>
      %gt3A_161 = arith.cmpf ogt, %get3A_158, %gt3A_160 : vector<16xf32>
      %convert_element_type3A_162 = arith.extui %gt3A_161 : vector<16xi1> to vector<16xi32>
      %broadcast_in_dim3A_163 = arith.constant true
      %broadcast_in_dim3A_164 = vector.broadcast %broadcast_in_dim3A_163 : i1 to vector<16xi1>
      %masked_cumsum3A_165 = tpu.scan <sum>, %convert_element_type3A_162 masked %broadcast_in_dim3A_164 : vector<16xi32>, vector<16xi1> -> vector<16xi32>
      %broadcast_in_dim3A_166 = vector.broadcast %add3A_150 : i32 to vector<16xi32>
      %sub3A_167 = arith.subi %masked_cumsum3A_165, %convert_element_type3A_162 : vector<16xi32>
      %add3A_168 = arith.addi %broadcast_in_dim3A_166, %sub3A_167 : vector<16xi32>
      %lt3A_169 = arith.constant 6144 : i32
      %lt3A_170 = vector.broadcast %lt3A_169 : i32 to vector<16xi32>
      %lt3A_171 = arith.cmpi slt, %add3A_168, %lt3A_170 : vector<16xi32>
      %and3A_172 = arith.andi %gt3A_161, %lt3A_171 : vector<16xi1>
      %jit3A_173 = arith.constant 6144 : i32
      %broadcast_in_dim3A_174 = vector.broadcast %jit3A_173 : i32 to vector<16xi32>
      %select_n3A_175 = arith.select %and3A_172, %add3A_168, %broadcast_in_dim3A_174 : vector<16xi1>, vector<16xi32>
      %swap3A_176 = arith.index_cast %scan3A_25 : i32 to index
      %swap3A_177 = arith.constant 64 : index
      %swap3A_178 = tpu.vector_load %arg19[%swap3A_176, %swap3A_177] {strides = array<i32>} : memref<18x128xi32, #tpu.memory_space<vmem>>, vector<16xi32>,
      tpu.vector_store %arg19[%swap3A_176, %swap3A_177], %select_n3A_175 {strides = array<i32>} : memref<18x128xi32, #tpu.memory_space<vmem>>, vector<16xi32>,
      %reduce_sum3A_179 = arith.constant true
      %reduce_sum3A_180 = vector.broadcast %reduce_sum3A_179 : i1 to vector<16xi1>
      %reduce_sum3A_181 = tpu.scan <sum>, %convert_element_type3A_162 masked %reduce_sum3A_180 : vector<16xi32>, vector<16xi1> -> vector<16xi32>
      %reduce_sum3A_182 = vector.extract %reduce_sum3A_181[15] : i32 from vector<16xi32>
      %add3A_183 = arith.addi %add3A_150, %reduce_sum3A_182 : i32
      %mul3A_184 = arith.constant 8 : i32
      %mul3A_185 = arith.muli %scan3A_25, %mul3A_184 : i32
      %add3A_186 = arith.constant 5 : i32
      %add3A_187 = arith.addi %mul3A_185, %add3A_186 : i32
      %mul3A_188 = arith.constant 16 : i32
      %mul3A_189 = arith.muli %add3A_187, %mul3A_188 : i32
      %get3A_190 = arith.index_cast %mul3A_189 : i32 to index
      %get3A_191 = tpu.vector_load %arg13[%get3A_190] {strides = array<i32>} : memref<2304xf32, #tpu.memory_space<vmem>>, vector<16xf32>,
      %gt3A_192 = arith.constant 0xFF800000 : f32
      %gt3A_193 = vector.broadcast %gt3A_192 : f32 to vector<16xf32>
      %gt3A_194 = arith.cmpf ogt, %get3A_191, %gt3A_193 : vector<16xf32>
      %convert_element_type3A_195 = arith.extui %gt3A_194 : vector<16xi1> to vector<16xi32>
      %broadcast_in_dim3A_196 = arith.constant true
      %broadcast_in_dim3A_197 = vector.broadcast %broadcast_in_dim3A_196 : i1 to vector<16xi1>
      %masked_cumsum3A_198 = tpu.scan <sum>, %convert_element_type3A_195 masked %broadcast_in_dim3A_197 : vector<16xi32>, vector<16xi1> -> vector<16xi32>
      %broadcast_in_dim3A_199 = vector.broadcast %add3A_183 : i32 to vector<16xi32>
      %sub3A_200 = arith.subi %masked_cumsum3A_198, %convert_element_type3A_195 : vector<16xi32>
      %add3A_201 = arith.addi %broadcast_in_dim3A_199, %sub3A_200 : vector<16xi32>
      %lt3A_202 = arith.constant 6144 : i32
      %lt3A_203 = vector.broadcast %lt3A_202 : i32 to vector<16xi32>
      %lt3A_204 = arith.cmpi slt, %add3A_201, %lt3A_203 : vector<16xi32>
      %and3A_205 = arith.andi %gt3A_194, %lt3A_204 : vector<16xi1>
      %jit3A_206 = arith.constant 6144 : i32
      %broadcast_in_dim3A_207 = vector.broadcast %jit3A_206 : i32 to vector<16xi32>
      %select_n3A_208 = arith.select %and3A_205, %add3A_201, %broadcast_in_dim3A_207 : vector<16xi1>, vector<16xi32>
      %swap3A_209 = arith.index_cast %scan3A_25 : i32 to index
      %swap3A_210 = arith.constant 80 : index
      %swap3A_211 = tpu.vector_load %arg19[%swap3A_209, %swap3A_210] {strides = array<i32>} : memref<18x128xi32, #tpu.memory_space<vmem>>, vector<16xi32>,
      tpu.vector_store %arg19[%swap3A_209, %swap3A_210], %select_n3A_208 {strides = array<i32>} : memref<18x128xi32, #tpu.memory_space<vmem>>, vector<16xi32>,
      %reduce_sum3A_212 = arith.constant true
      %reduce_sum3A_213 = vector.broadcast %reduce_sum3A_212 : i1 to vector<16xi1>
      %reduce_sum3A_214 = tpu.scan <sum>, %convert_element_type3A_195 masked %reduce_sum3A_213 : vector<16xi32>, vector<16xi1> -> vector<16xi32>
      %reduce_sum3A_215 = vector.extract %reduce_sum3A_214[15] : i32 from vector<16xi32>
      %add3A_216 = arith.addi %add3A_183, %reduce_sum3A_215 : i32
      %mul3A_217 = arith.constant 8 : i32
      %mul3A_218 = arith.muli %scan3A_25, %mul3A_217 : i32
      %add3A_219 = arith.constant 6 : i32
      %add3A_220 = arith.addi %mul3A_218, %add3A_219 : i32
      %mul3A_221 = arith.constant 16 : i32
      %mul3A_222 = arith.muli %add3A_220, %mul3A_221 : i32
      %get3A_223 = arith.index_cast %mul3A_222 : i32 to index
      %get3A_224 = tpu.vector_load %arg13[%get3A_223] {strides = array<i32>} : memref<2304xf32, #tpu.memory_space<vmem>>, vector<16xf32>,
      %gt3A_225 = arith.constant 0xFF800000 : f32
      %gt3A_226 = vector.broadcast %gt3A_225 : f32 to vector<16xf32>
      %gt3A_227 = arith.cmpf ogt, %get3A_224, %gt3A_226 : vector<16xf32>
      %convert_element_type3A_228 = arith.extui %gt3A_227 : vector<16xi1> to vector<16xi32>
      %broadcast_in_dim3A_229 = arith.constant true
      %broadcast_in_dim3A_230 = vector.broadcast %broadcast_in_dim3A_229 : i1 to vector<16xi1>
      %masked_cumsum3A_231 = tpu.scan <sum>, %convert_element_type3A_228 masked %broadcast_in_dim3A_230 : vector<16xi32>, vector<16xi1> -> vector<16xi32>
      %broadcast_in_dim3A_232 = vector.broadcast %add3A_216 : i32 to vector<16xi32>
      %sub3A_233 = arith.subi %masked_cumsum3A_231, %convert_element_type3A_228 : vector<16xi32>
      %add3A_234 = arith.addi %broadcast_in_dim3A_232, %sub3A_233 : vector<16xi32>
      %lt3A_235 = arith.constant 6144 : i32
      %lt3A_236 = vector.broadcast %lt3A_235 : i32 to vector<16xi32>
      %lt3A_237 = arith.cmpi slt, %add3A_234, %lt3A_236 : vector<16xi32>
      %and3A_238 = arith.andi %gt3A_227, %lt3A_237 : vector<16xi1>
      %jit3A_239 = arith.constant 6144 : i32
      %broadcast_in_dim3A_240 = vector.broadcast %jit3A_239 : i32 to vector<16xi32>
      %select_n3A_241 = arith.select %and3A_238, %add3A_234, %broadcast_in_dim3A_240 : vector<16xi1>, vector<16xi32>
      %swap3A_242 = arith.index_cast %scan3A_25 : i32 to index
      %swap3A_243 = arith.constant 96 : index
      %swap3A_244 = tpu.vector_load %arg19[%swap3A_242, %swap3A_243] {strides = array<i32>} : memref<18x128xi32, #tpu.memory_space<vmem>>, vector<16xi32>,
      tpu.vector_store %arg19[%swap3A_242, %swap3A_243], %select_n3A_241 {strides = array<i32>} : memref<18x128xi32, #tpu.memory_space<vmem>>, vector<16xi32>,
      %reduce_sum3A_245 = arith.constant true
      %reduce_sum3A_246 = vector.broadcast %reduce_sum3A_245 : i1 to vector<16xi1>
      %reduce_sum3A_247 = tpu.scan <sum>, %convert_element_type3A_228 masked %reduce_sum3A_246 : vector<16xi32>, vector<16xi1> -> vector<16xi32>
      %reduce_sum3A_248 = vector.extract %reduce_sum3A_247[15] : i32 from vector<16xi32>
      %add3A_249 = arith.addi %add3A_216, %reduce_sum3A_248 : i32
      %mul3A_250 = arith.constant 8 : i32
      %mul3A_251 = arith.muli %scan3A_25, %mul3A_250 : i32
      %add3A_252 = arith.constant 7 : i32
      %add3A_253 = arith.addi %mul3A_251, %add3A_252 : i32
      %mul3A_254 = arith.constant 16 : i32
      %mul3A_255 = arith.muli %add3A_253, %mul3A_254 : i32
      %get3A_256 = arith.index_cast %mul3A_255 : i32 to index
      %get3A_257 = tpu.vector_load %arg13[%get3A_256] {strides = array<i32>} : memref<2304xf32, #tpu.memory_space<vmem>>, vector<16xf32>,
      %gt3A_258 = arith.constant 0xFF800000 : f32
      %gt3A_259 = vector.broadcast %gt3A_258 : f32 to vector<16xf32>
      %gt3A_260 = arith.cmpf ogt, %get3A_257, %gt3A_259 : vector<16xf32>
      %convert_element_type3A_261 = arith.extui %gt3A_260 : vector<16xi1> to vector<16xi32>
      %broadcast_in_dim3A_262 = arith.constant true
      %broadcast_in_dim3A_263 = vector.broadcast %broadcast_in_dim3A_262 : i1 to vector<16xi1>
      %masked_cumsum3A_264 = tpu.scan <sum>, %convert_element_type3A_261 masked %broadcast_in_dim3A_263 : vector<16xi32>, vector<16xi1> -> vector<16xi32>
      %broadcast_in_dim3A_265 = vector.broadcast %add3A_249 : i32 to vector<16xi32>
      %sub3A_266 = arith.subi %masked_cumsum3A_264, %convert_element_type3A_261 : vector<16xi32>
      %add3A_267 = arith.addi %broadcast_in_dim3A_265, %sub3A_266 : vector<16xi32>
      %lt3A_268 = arith.constant 6144 : i32
      %lt3A_269 = vector.broadcast %lt3A_268 : i32 to vector<16xi32>
      %lt3A_270 = arith.cmpi slt, %add3A_267, %lt3A_269 : vector<16xi32>
      %and3A_271 = arith.andi %gt3A_260, %lt3A_270 : vector<16xi1>
      %jit3A_272 = arith.constant 6144 : i32
      %broadcast_in_dim3A_273 = vector.broadcast %jit3A_272 : i32 to vector<16xi32>
      %select_n3A_274 = arith.select %and3A_271, %add3A_267, %broadcast_in_dim3A_273 : vector<16xi1>, vector<16xi32>
      %swap3A_275 = arith.index_cast %scan3A_25 : i32 to index
      %swap3A_276 = arith.constant 112 : index
      %swap3A_277 = tpu.vector_load %arg19[%swap3A_275, %swap3A_276] {strides = array<i32>} : memref<18x128xi32, #tpu.memory_space<vmem>>, vector<16xi32>,
      tpu.vector_store %arg19[%swap3A_275, %swap3A_276], %select_n3A_274 {strides = array<i32>} : memref<18x128xi32, #tpu.memory_space<vmem>>, vector<16xi32>,
      %reduce_sum3A_278 = arith.constant true
      %reduce_sum3A_279 = vector.broadcast %reduce_sum3A_278 : i1 to vector<16xi1>
      %reduce_sum3A_280 = tpu.scan <sum>, %convert_element_type3A_261 masked %reduce_sum3A_279 : vector<16xi32>, vector<16xi1> -> vector<16xi32>
      %reduce_sum3A_281 = vector.extract %reduce_sum3A_280[15] : i32 from vector<16xi32>
      %add3A_282 = arith.addi %add3A_249, %reduce_sum3A_281 : i32
      scf.yield %add3A_282 : i32
    }
    %scan3A_10 = arith.constant 18 : i32
    %scan3A_11 = arith.constant 0 : i32
    %scan3A_12 = arith.constant 0 : i32
    %scan3A_13 = arith.constant 18 : i32
    %scan3A_14 = arith.addi %scan3A_12, %scan3A_13 : i32
    %scan3A_15 = arith.constant 1 : i32
    scf.for %scan3A_25 = %scan3A_12 to %scan3A_14 step %scan3A_15  : i32 {
      %mul3A_26 = arith.constant 128 : i32
      %mul3A_27 = arith.muli %scan3A_25, %mul3A_26 : i32
      %mul3A_28 = arith.constant 128 : i32
      %mul3A_29 = arith.muli %scan3A_25, %mul3A_28 : i32
      %mul3A_30 = arith.constant 128 : i32
      %mul3A_31 = arith.muli %scan3A_25, %mul3A_30 : i32
      %mul3A_32 = arith.constant 128 : i32
      %mul3A_33 = arith.muli %scan3A_25, %mul3A_32 : i32
      %mul3A_34 = arith.constant 128 : i32
      %mul3A_35 = arith.muli %scan3A_25, %mul3A_34 : i32
      %dma_start3A = tpu.memref_slice %arg13[%mul3A_27] : memref<2304xf32, #tpu.memory_space<vmem>> -> memref<128xf32, #tpu.memory_space<vmem>>
      %dma_start3A_36 = arith.constant 0 : i32
      %dma_start3A_37 = tpu.memref_slice %arg19[%scan3A_25, %dma_start3A_36] : memref<18x128xi32, #tpu.memory_space<vmem>> -> memref<1x128xi32, #tpu.memory_space<vmem>>
      %dma_start3A_38 = tpu.memref_squeeze %dma_start3A_37 : memref<1x128xi32, #tpu.memory_space<vmem>> -> memref<128xi32, #tpu.memory_space<vmem>>
      %dma_start3A_39 = arith.constant 0 : i32
      %dma_start3A_40 = tpu.memref_slice %arg20[%dma_start3A_39] : memref<6272xf32, #tpu.memory_space<vmem_shared>> -> memref<6272xf32, #tpu.memory_space<vmem_shared>>
      tpu.enqueue_indirect_dma source(%dma_start3A : memref<128xf32, #tpu.memory_space<vmem>>) target(%dma_start3A_40 : memref<6272xf32, #tpu.memory_space<vmem_shared>>) offsets(%dma_start3A_38 : memref<128xi32, #tpu.memory_space<vmem>>) semaphore(%arg25 : memref<!tpu.dma_semaphore, #tpu.memory_space<semaphore_mem>>)
      %dma_start3A_41 = tpu.memref_slice %arg14[%mul3A_29] : memref<2304xf32, #tpu.memory_space<vmem>> -> memref<128xf32, #tpu.memory_space<vmem>>
      %dma_start3A_42 = arith.constant 0 : i32
      %dma_start3A_43 = tpu.memref_slice %arg19[%scan3A_25, %dma_start3A_42] : memref<18x128xi32, #tpu.memory_space<vmem>> -> memref<1x128xi32, #tpu.memory_space<vmem>>
      %dma_start3A_44 = tpu.memref_squeeze %dma_start3A_43 : memref<1x128xi32, #tpu.memory_space<vmem>> -> memref<128xi32, #tpu.memory_space<vmem>>
      %dma_start3A_45 = arith.constant 0 : i32
      %dma_start3A_46 = tpu.memref_slice %arg21[%dma_start3A_45] : memref<6272xf32, #tpu.memory_space<vmem_shared>> -> memref<6272xf32, #tpu.memory_space<vmem_shared>>
      tpu.enqueue_indirect_dma source(%dma_start3A_41 : memref<128xf32, #tpu.memory_space<vmem>>) target(%dma_start3A_46 : memref<6272xf32, #tpu.memory_space<vmem_shared>>) offsets(%dma_start3A_44 : memref<128xi32, #tpu.memory_space<vmem>>) semaphore(%arg25 : memref<!tpu.dma_semaphore, #tpu.memory_space<semaphore_mem>>)
      %dma_start3A_47 = tpu.memref_slice %arg15[%mul3A_31] : memref<2304xf32, #tpu.memory_space<vmem>> -> memref<128xf32, #tpu.memory_space<vmem>>
      %dma_start3A_48 = arith.constant 0 : i32
      %dma_start3A_49 = tpu.memref_slice %arg19[%scan3A_25, %dma_start3A_48] : memref<18x128xi32, #tpu.memory_space<vmem>> -> memref<1x128xi32, #tpu.memory_space<vmem>>
      %dma_start3A_50 = tpu.memref_squeeze %dma_start3A_49 : memref<1x128xi32, #tpu.memory_space<vmem>> -> memref<128xi32, #tpu.memory_space<vmem>>
      %dma_start3A_51 = arith.constant 0 : i32
      %dma_start3A_52 = tpu.memref_slice %arg22[%dma_start3A_51] : memref<6272xf32, #tpu.memory_space<vmem_shared>> -> memref<6272xf32, #tpu.memory_space<vmem_shared>>
      tpu.enqueue_indirect_dma source(%dma_start3A_47 : memref<128xf32, #tpu.memory_space<vmem>>) target(%dma_start3A_52 : memref<6272xf32, #tpu.memory_space<vmem_shared>>) offsets(%dma_start3A_50 : memref<128xi32, #tpu.memory_space<vmem>>) semaphore(%arg25 : memref<!tpu.dma_semaphore, #tpu.memory_space<semaphore_mem>>)
      %dma_start3A_53 = tpu.memref_slice %arg16[%mul3A_33] : memref<2304xf32, #tpu.memory_space<vmem>> -> memref<128xf32, #tpu.memory_space<vmem>>
      %dma_start3A_54 = arith.constant 0 : i32
      %dma_start3A_55 = tpu.memref_slice %arg19[%scan3A_25, %dma_start3A_54] : memref<18x128xi32, #tpu.memory_space<vmem>> -> memref<1x128xi32, #tpu.memory_space<vmem>>
      %dma_start3A_56 = tpu.memref_squeeze %dma_start3A_55 : memref<1x128xi32, #tpu.memory_space<vmem>> -> memref<128xi32, #tpu.memory_space<vmem>>
      %dma_start3A_57 = arith.constant 0 : i32
      %dma_start3A_58 = tpu.memref_slice %arg23[%dma_start3A_57] : memref<6272xf32, #tpu.memory_space<vmem_shared>> -> memref<6272xf32, #tpu.memory_space<vmem_shared>>
      tpu.enqueue_indirect_dma source(%dma_start3A_53 : memref<128xf32, #tpu.memory_space<vmem>>) target(%dma_start3A_58 : memref<6272xf32, #tpu.memory_space<vmem_shared>>) offsets(%dma_start3A_56 : memref<128xi32, #tpu.memory_space<vmem>>) semaphore(%arg25 : memref<!tpu.dma_semaphore, #tpu.memory_space<semaphore_mem>>)
      %dma_start3A_59 = tpu.memref_slice %arg17[%mul3A_35] : memref<2304xf32, #tpu.memory_space<vmem>> -> memref<128xf32, #tpu.memory_space<vmem>>
      %dma_start3A_60 = arith.constant 0 : i32
      %dma_start3A_61 = tpu.memref_slice %arg19[%scan3A_25, %dma_start3A_60] : memref<18x128xi32, #tpu.memory_space<vmem>> -> memref<1x128xi32, #tpu.memory_space<vmem>>
      %dma_start3A_62 = tpu.memref_squeeze %dma_start3A_61 : memref<1x128xi32, #tpu.memory_space<vmem>> -> memref<128xi32, #tpu.memory_space<vmem>>
      %dma_start3A_63 = arith.constant 0 : i32
      %dma_start3A_64 = tpu.memref_slice %arg24[%dma_start3A_63] : memref<6272xf32, #tpu.memory_space<vmem_shared>> -> memref<6272xf32, #tpu.memory_space<vmem_shared>>
      tpu.enqueue_indirect_dma source(%dma_start3A_59 : memref<128xf32, #tpu.memory_space<vmem>>) target(%dma_start3A_64 : memref<6272xf32, #tpu.memory_space<vmem_shared>>) offsets(%dma_start3A_62 : memref<128xi32, #tpu.memory_space<vmem>>) semaphore(%arg25 : memref<!tpu.dma_semaphore, #tpu.memory_space<semaphore_mem>>)
    }
    %scan3A_16 = arith.constant 18 : i32
    %scan3A_17 = arith.constant 0 : i32
    %scan3A_18 = arith.constant 0 : i32
    %scan3A_19 = arith.constant 18 : i32
    %scan3A_20 = arith.addi %scan3A_18, %scan3A_19 : i32
    %scan3A_21 = arith.constant 1 : i32
    scf.for %scan3A_25 = %scan3A_18 to %scan3A_20 step %scan3A_21  : i32 {
      %mul3A_26 = arith.constant 128 : i32
      %mul3A_27 = arith.muli %scan3A_25, %mul3A_26 : i32
      %mul3A_28 = arith.constant 128 : i32
      %mul3A_29 = arith.muli %scan3A_25, %mul3A_28 : i32
      %mul3A_30 = arith.constant 128 : i32
      %mul3A_31 = arith.muli %scan3A_25, %mul3A_30 : i32
      %mul3A_32 = arith.constant 128 : i32
      %mul3A_33 = arith.muli %scan3A_25, %mul3A_32 : i32
      %mul3A_34 = arith.constant 128 : i32
      %mul3A_35 = arith.muli %scan3A_25, %mul3A_34 : i32
      %dma_wait3A = tpu.memref_slice %arg13[%mul3A_27] : memref<2304xf32, #tpu.memory_space<vmem>> -> memref<128xf32, #tpu.memory_space<vmem>>
      %dma_wait3A_36 = arith.constant 0 : i32
      %dma_wait3A_37 = tpu.memref_slice %arg19[%scan3A_25, %dma_wait3A_36] : memref<18x128xi32, #tpu.memory_space<vmem>> -> memref<1x128xi32, #tpu.memory_space<vmem>>
      %dma_wait3A_38 = tpu.memref_squeeze %dma_wait3A_37 : memref<1x128xi32, #tpu.memory_space<vmem>> -> memref<128xi32, #tpu.memory_space<vmem>>
      %dma_wait3A_39 = arith.constant 0 : i32
      %dma_wait3A_40 = tpu.memref_slice %arg20[%dma_wait3A_39] : memref<6272xf32, #tpu.memory_space<vmem_shared>> -> memref<6272xf32, #tpu.memory_space<vmem_shared>>
      tpu.wait_indirect_dma semaphore(%arg25 : memref<!tpu.dma_semaphore, #tpu.memory_space<semaphore_mem>>) src(%dma_wait3A : memref<128xf32, #tpu.memory_space<vmem>>) dst(%dma_wait3A_40 : memref<6272xf32, #tpu.memory_space<vmem_shared>>)
      %dma_wait3A_41 = tpu.memref_slice %arg14[%mul3A_29] : memref<2304xf32, #tpu.memory_space<vmem>> -> memref<128xf32, #tpu.memory_space<vmem>>
      %dma_wait3A_42 = arith.constant 0 : i32
      %dma_wait3A_43 = tpu.memref_slice %arg19[%scan3A_25, %dma_wait3A_42] : memref<18x128xi32, #tpu.memory_space<vmem>> -> memref<1x128xi32, #tpu.memory_space<vmem>>
      %dma_wait3A_44 = tpu.memref_squeeze %dma_wait3A_43 : memref<1x128xi32, #tpu.memory_space<vmem>> -> memref<128xi32, #tpu.memory_space<vmem>>
      %dma_wait3A_45 = arith.constant 0 : i32
      %dma_wait3A_46 = tpu.memref_slice %arg21[%dma_wait3A_45] : memref<6272xf32, #tpu.memory_space<vmem_shared>> -> memref<6272xf32, #tpu.memory_space<vmem_shared>>
      tpu.wait_indirect_dma semaphore(%arg25 : memref<!tpu.dma_semaphore, #tpu.memory_space<semaphore_mem>>) src(%dma_wait3A_41 : memref<128xf32, #tpu.memory_space<vmem>>) dst(%dma_wait3A_46 : memref<6272xf32, #tpu.memory_space<vmem_shared>>)
      %dma_wait3A_47 = tpu.memref_slice %arg15[%mul3A_31] : memref<2304xf32, #tpu.memory_space<vmem>> -> memref<128xf32, #tpu.memory_space<vmem>>
      %dma_wait3A_48 = arith.constant 0 : i32
      %dma_wait3A_49 = tpu.memref_slice %arg19[%scan3A_25, %dma_wait3A_48] : memref<18x128xi32, #tpu.memory_space<vmem>> -> memref<1x128xi32, #tpu.memory_space<vmem>>
      %dma_wait3A_50 = tpu.memref_squeeze %dma_wait3A_49 : memref<1x128xi32, #tpu.memory_space<vmem>> -> memref<128xi32, #tpu.memory_space<vmem>>
      %dma_wait3A_51 = arith.constant 0 : i32
      %dma_wait3A_52 = tpu.memref_slice %arg22[%dma_wait3A_51] : memref<6272xf32, #tpu.memory_space<vmem_shared>> -> memref<6272xf32, #tpu.memory_space<vmem_shared>>
      tpu.wait_indirect_dma semaphore(%arg25 : memref<!tpu.dma_semaphore, #tpu.memory_space<semaphore_mem>>) src(%dma_wait3A_47 : memref<128xf32, #tpu.memory_space<vmem>>) dst(%dma_wait3A_52 : memref<6272xf32, #tpu.memory_space<vmem_shared>>)
      %dma_wait3A_53 = tpu.memref_slice %arg16[%mul3A_33] : memref<2304xf32, #tpu.memory_space<vmem>> -> memref<128xf32, #tpu.memory_space<vmem>>
      %dma_wait3A_54 = arith.constant 0 : i32
      %dma_wait3A_55 = tpu.memref_slice %arg19[%scan3A_25, %dma_wait3A_54] : memref<18x128xi32, #tpu.memory_space<vmem>> -> memref<1x128xi32, #tpu.memory_space<vmem>>
      %dma_wait3A_56 = tpu.memref_squeeze %dma_wait3A_55 : memref<1x128xi32, #tpu.memory_space<vmem>> -> memref<128xi32, #tpu.memory_space<vmem>>
      %dma_wait3A_57 = arith.constant 0 : i32
      %dma_wait3A_58 = tpu.memref_slice %arg23[%dma_wait3A_57] : memref<6272xf32, #tpu.memory_space<vmem_shared>> -> memref<6272xf32, #tpu.memory_space<vmem_shared>>
      tpu.wait_indirect_dma semaphore(%arg25 : memref<!tpu.dma_semaphore, #tpu.memory_space<semaphore_mem>>) src(%dma_wait3A_53 : memref<128xf32, #tpu.memory_space<vmem>>) dst(%dma_wait3A_58 : memref<6272xf32, #tpu.memory_space<vmem_shared>>)
      %dma_wait3A_59 = tpu.memref_slice %arg17[%mul3A_35] : memref<2304xf32, #tpu.memory_space<vmem>> -> memref<128xf32, #tpu.memory_space<vmem>>
      %dma_wait3A_60 = arith.constant 0 : i32
      %dma_wait3A_61 = tpu.memref_slice %arg19[%scan3A_25, %dma_wait3A_60] : memref<18x128xi32, #tpu.memory_space<vmem>> -> memref<1x128xi32, #tpu.memory_space<vmem>>
      %dma_wait3A_62 = tpu.memref_squeeze %dma_wait3A_61 : memref<1x128xi32, #tpu.memory_space<vmem>> -> memref<128xi32, #tpu.memory_space<vmem>>
      %dma_wait3A_63 = arith.constant 0 : i32
      %dma_wait3A_64 = tpu.memref_slice %arg24[%dma_wait3A_63] : memref<6272xf32, #tpu.memory_space<vmem_shared>> -> memref<6272xf32, #tpu.memory_space<vmem_shared>>
      tpu.wait_indirect_dma semaphore(%arg25 : memref<!tpu.dma_semaphore, #tpu.memory_space<semaphore_mem>>) src(%dma_wait3A_59 : memref<128xf32, #tpu.memory_space<vmem>>) dst(%dma_wait3A_64 : memref<6272xf32, #tpu.memory_space<vmem_shared>>)
    }
    %scan3A_22 = arith.constant 18 : i32
    %barrier3A = arith.constant 0 : index
    tpu.barrier barrier_id(%barrier3A)
    %mul3A_23 = arith.constant 384 : i32
    %mul3A_24 = arith.muli %arg1, %mul3A_23 : i32
    "tpu.region"() ({
      %run_scoped3A = tpu.sem_alloc : memref<!tpu.dma_semaphore, #tpu.memory_space<semaphore_mem>>
      %dma_start3A = tpu.memref_slice %arg8[%mul3A_24] : memref<6272xf32, #tpu.memory_space<hbm>> -> memref<384xf32, #tpu.memory_space<hbm>>
      %dma_start3A_25 = tpu.memref_slice %arg20[%mul3A_24] : memref<6272xf32, #tpu.memory_space<vmem_shared>> -> memref<384xf32, #tpu.memory_space<vmem_shared>>
      tpu.enqueue_dma source(%dma_start3A_25 : memref<384xf32, #tpu.memory_space<vmem_shared>>) target(%dma_start3A : memref<384xf32, #tpu.memory_space<hbm>>) target_semaphore(%run_scoped3A : memref<!tpu.dma_semaphore, #tpu.memory_space<semaphore_mem>>)
      %dma_wait3A = tpu.memref_slice %arg8[%mul3A_24] : memref<6272xf32, #tpu.memory_space<hbm>> -> memref<384xf32, #tpu.memory_space<hbm>>
      %dma_wait3A_26 = tpu.memref_slice %arg20[%mul3A_24] : memref<6272xf32, #tpu.memory_space<vmem_shared>> -> memref<384xf32, #tpu.memory_space<vmem_shared>>
      tpu.wait_dma2 semaphore(%run_scoped3A : memref<!tpu.dma_semaphore, #tpu.memory_space<semaphore_mem>>) src(%dma_wait3A_26 : memref<384xf32, #tpu.memory_space<vmem_shared>>) dst(%dma_wait3A : memref<384xf32, #tpu.memory_space<hbm>>)
      tpu.yield
    }) : () -> ()
    "tpu.region"() ({
      %run_scoped3A = tpu.sem_alloc : memref<!tpu.dma_semaphore, #tpu.memory_space<semaphore_mem>>
      %dma_start3A = tpu.memref_slice %arg9[%mul3A_24] : memref<6272xf32, #tpu.memory_space<hbm>> -> memref<384xf32, #tpu.memory_space<hbm>>
      %dma_start3A_25 = tpu.memref_slice %arg21[%mul3A_24] : memref<6272xf32, #tpu.memory_space<vmem_shared>> -> memref<384xf32, #tpu.memory_space<vmem_shared>>
      tpu.enqueue_dma source(%dma_start3A_25 : memref<384xf32, #tpu.memory_space<vmem_shared>>) target(%dma_start3A : memref<384xf32, #tpu.memory_space<hbm>>) target_semaphore(%run_scoped3A : memref<!tpu.dma_semaphore, #tpu.memory_space<semaphore_mem>>)
      %dma_wait3A = tpu.memref_slice %arg9[%mul3A_24] : memref<6272xf32, #tpu.memory_space<hbm>> -> memref<384xf32, #tpu.memory_space<hbm>>
      %dma_wait3A_26 = tpu.memref_slice %arg21[%mul3A_24] : memref<6272xf32, #tpu.memory_space<vmem_shared>> -> memref<384xf32, #tpu.memory_space<vmem_shared>>
      tpu.wait_dma2 semaphore(%run_scoped3A : memref<!tpu.dma_semaphore, #tpu.memory_space<semaphore_mem>>) src(%dma_wait3A_26 : memref<384xf32, #tpu.memory_space<vmem_shared>>) dst(%dma_wait3A : memref<384xf32, #tpu.memory_space<hbm>>)
      tpu.yield
    }) : () -> ()
    "tpu.region"() ({
      %run_scoped3A = tpu.sem_alloc : memref<!tpu.dma_semaphore, #tpu.memory_space<semaphore_mem>>
      %dma_start3A = tpu.memref_slice %arg10[%mul3A_24] : memref<6272xf32, #tpu.memory_space<hbm>> -> memref<384xf32, #tpu.memory_space<hbm>>
      %dma_start3A_25 = tpu.memref_slice %arg22[%mul3A_24] : memref<6272xf32, #tpu.memory_space<vmem_shared>> -> memref<384xf32, #tpu.memory_space<vmem_shared>>
      tpu.enqueue_dma source(%dma_start3A_25 : memref<384xf32, #tpu.memory_space<vmem_shared>>) target(%dma_start3A : memref<384xf32, #tpu.memory_space<hbm>>) target_semaphore(%run_scoped3A : memref<!tpu.dma_semaphore, #tpu.memory_space<semaphore_mem>>)
      %dma_wait3A = tpu.memref_slice %arg10[%mul3A_24] : memref<6272xf32, #tpu.memory_space<hbm>> -> memref<384xf32, #tpu.memory_space<hbm>>
      %dma_wait3A_26 = tpu.memref_slice %arg22[%mul3A_24] : memref<6272xf32, #tpu.memory_space<vmem_shared>> -> memref<384xf32, #tpu.memory_space<vmem_shared>>
      tpu.wait_dma2 semaphore(%run_scoped3A : memref<!tpu.dma_semaphore, #tpu.memory_space<semaphore_mem>>) src(%dma_wait3A_26 : memref<384xf32, #tpu.memory_space<vmem_shared>>) dst(%dma_wait3A : memref<384xf32, #tpu.memory_space<hbm>>)
      tpu.yield
    }) : () -> ()
    "tpu.region"() ({
      %run_scoped3A = tpu.sem_alloc : memref<!tpu.dma_semaphore, #tpu.memory_space<semaphore_mem>>
      %dma_start3A = tpu.memref_slice %arg11[%mul3A_24] : memref<6272xf32, #tpu.memory_space<hbm>> -> memref<384xf32, #tpu.memory_space<hbm>>
      %dma_start3A_25 = tpu.memref_slice %arg23[%mul3A_24] : memref<6272xf32, #tpu.memory_space<vmem_shared>> -> memref<384xf32, #tpu.memory_space<vmem_shared>>
      tpu.enqueue_dma source(%dma_start3A_25 : memref<384xf32, #tpu.memory_space<vmem_shared>>) target(%dma_start3A : memref<384xf32, #tpu.memory_space<hbm>>) target_semaphore(%run_scoped3A : memref<!tpu.dma_semaphore, #tpu.memory_space<semaphore_mem>>)
      %dma_wait3A = tpu.memref_slice %arg11[%mul3A_24] : memref<6272xf32, #tpu.memory_space<hbm>> -> memref<384xf32, #tpu.memory_space<hbm>>
      %dma_wait3A_26 = tpu.memref_slice %arg23[%mul3A_24] : memref<6272xf32, #tpu.memory_space<vmem_shared>> -> memref<384xf32, #tpu.memory_space<vmem_shared>>
      tpu.wait_dma2 semaphore(%run_scoped3A : memref<!tpu.dma_semaphore, #tpu.memory_space<semaphore_mem>>) src(%dma_wait3A_26 : memref<384xf32, #tpu.memory_space<vmem_shared>>) dst(%dma_wait3A : memref<384xf32, #tpu.memory_space<hbm>>)
      tpu.yield
    }) : () -> ()
    "tpu.region"() ({
      %run_scoped3A = tpu.sem_alloc : memref<!tpu.dma_semaphore, #tpu.memory_space<semaphore_mem>>
      %dma_start3A = tpu.memref_slice %arg12[%mul3A_24] : memref<6272xf32, #tpu.memory_space<hbm>> -> memref<384xf32, #tpu.memory_space<hbm>>
      %dma_start3A_25 = tpu.memref_slice %arg24[%mul3A_24] : memref<6272xf32, #tpu.memory_space<vmem_shared>> -> memref<384xf32, #tpu.memory_space<vmem_shared>>
      tpu.enqueue_dma source(%dma_start3A_25 : memref<384xf32, #tpu.memory_space<vmem_shared>>) target(%dma_start3A : memref<384xf32, #tpu.memory_space<hbm>>) target_semaphore(%run_scoped3A : memref<!tpu.dma_semaphore, #tpu.memory_space<semaphore_mem>>)
      %dma_wait3A = tpu.memref_slice %arg12[%mul3A_24] : memref<6272xf32, #tpu.memory_space<hbm>> -> memref<384xf32, #tpu.memory_space<hbm>>
      %dma_wait3A_26 = tpu.memref_slice %arg24[%mul3A_24] : memref<6272xf32, #tpu.memory_space<vmem_shared>> -> memref<384xf32, #tpu.memory_space<vmem_shared>>
      tpu.wait_dma2 semaphore(%run_scoped3A : memref<!tpu.dma_semaphore, #tpu.memory_space<semaphore_mem>>) src(%dma_wait3A_26 : memref<384xf32, #tpu.memory_space<vmem_shared>>) dst(%dma_wait3A : memref<384xf32, #tpu.memory_space<hbm>>)
      tpu.yield
    }) : () -> ()
    return
  }
}

module attributes {stable_mosaic.version = 14 : i64} {
  func.func @_head_body(%arg0: memref<66x66x256xf32, #tpu.memory_space<vmem>>, %arg1: memref<9x256x512xf32, #tpu.memory_space<vmem>>, %arg2: memref<1x512xf32, #tpu.memory_space<vmem>>, %arg3: memref<512x18xf32, #tpu.memory_space<vmem>>, %arg4: memref<1x18xf32, #tpu.memory_space<vmem>>, %arg5: memref<512x36xf32, #tpu.memory_space<vmem>>, %arg6: memref<1x36xf32, #tpu.memory_space<vmem>>, %arg7: memref<1x128xf32, #tpu.memory_space<vmem>>, %arg8: memref<4x9xf32, #tpu.memory_space<vmem>>, %arg9: memref<4096x9xf32, #tpu.memory_space<vmem>>, %arg10: memref<4096x9xf32, #tpu.memory_space<vmem>>, %arg11: memref<4096x9xf32, #tpu.memory_space<vmem>>, %arg12: memref<4096x9xf32, #tpu.memory_space<vmem>>, %arg13: memref<4096x9xf32, #tpu.memory_space<vmem>>) attributes {dimension_semantics = [], scalar_prefetch = 0 : i64, scratch_operands = 0 : i64, tpu.core_type = #tpu.core_type<tc>} {
    %broadcast_in_dim3A = arith.constant 0.000000e+00 : f32
    %broadcast_in_dim3A_0 = vector.broadcast %broadcast_in_dim3A : f32 to vector<4096x512xf32>
    %get3A = arith.constant 0 : index
    %get3A_1 = arith.constant 0 : index
    %get3A_2 = arith.constant 0 : index
    %get3A_3 = vector.load %arg0[%get3A, %get3A_1, %get3A_2] : memref<66x66x256xf32, #tpu.memory_space<vmem>>, vector<64x64x256xf32>
    %reshape3A = vector.shape_cast %get3A_3 : vector<64x64x256xf32> to vector<4096x256xf32>
    %get3A_4 = arith.constant 0 : index
    %get3A_5 = arith.constant 0 : index
    %get3A_6 = arith.constant 0 : index
    %get3A_7 = vector.load %arg1[%get3A_4, %get3A_5, %get3A_6] : memref<9x256x512xf32, #tpu.memory_space<vmem>>, vector<1x256x512xf32>
    %get3A_8 = vector.shape_cast %get3A_7 : vector<1x256x512xf32> to vector<256x512xf32>
    %dot_general3A = arith.constant dense<0.000000e+00> : vector<4096x512xf32>
    %dot_general3A_9 = tpu.matmul %reshape3A, %get3A_8, %dot_general3A {dimension_numbers = #tpu.dot_dimension_numbers<[1], [0], [0], [1], [0, 0, 1, 1], [], []>, transpose_lhs_hint = false} : vector<4096x256xf32>, vector<256x512xf32>, vector<4096x512xf32> -> vector<4096x512xf32>
    %add3A = arith.addf %broadcast_in_dim3A_0, %dot_general3A_9 : vector<4096x512xf32>
    %get3A_10 = arith.constant 0 : index
    %get3A_11 = arith.constant 1 : index
    %get3A_12 = arith.constant 0 : index
    %get3A_13 = vector.load %arg0[%get3A_10, %get3A_11, %get3A_12] : memref<66x66x256xf32, #tpu.memory_space<vmem>>, vector<64x64x256xf32>
    %reshape3A_14 = vector.shape_cast %get3A_13 : vector<64x64x256xf32> to vector<4096x256xf32>
    %get3A_15 = arith.constant 1 : index
    %get3A_16 = arith.constant 0 : index
    %get3A_17 = arith.constant 0 : index
    %get3A_18 = vector.load %arg1[%get3A_15, %get3A_16, %get3A_17] : memref<9x256x512xf32, #tpu.memory_space<vmem>>, vector<1x256x512xf32>
    %get3A_19 = vector.shape_cast %get3A_18 : vector<1x256x512xf32> to vector<256x512xf32>
    %dot_general3A_20 = arith.constant dense<0.000000e+00> : vector<4096x512xf32>
    %dot_general3A_21 = tpu.matmul %reshape3A_14, %get3A_19, %dot_general3A_20 {dimension_numbers = #tpu.dot_dimension_numbers<[1], [0], [0], [1], [0, 0, 1, 1], [], []>, transpose_lhs_hint = false} : vector<4096x256xf32>, vector<256x512xf32>, vector<4096x512xf32> -> vector<4096x512xf32>
    %add3A_22 = arith.addf %add3A, %dot_general3A_21 : vector<4096x512xf32>
    %get3A_23 = arith.constant 0 : index
    %get3A_24 = arith.constant 2 : index
    %get3A_25 = arith.constant 0 : index
    %get3A_26 = vector.load %arg0[%get3A_23, %get3A_24, %get3A_25] : memref<66x66x256xf32, #tpu.memory_space<vmem>>, vector<64x64x256xf32>
    %reshape3A_27 = vector.shape_cast %get3A_26 : vector<64x64x256xf32> to vector<4096x256xf32>
    %get3A_28 = arith.constant 2 : index
    %get3A_29 = arith.constant 0 : index
    %get3A_30 = arith.constant 0 : index
    %get3A_31 = vector.load %arg1[%get3A_28, %get3A_29, %get3A_30] : memref<9x256x512xf32, #tpu.memory_space<vmem>>, vector<1x256x512xf32>
    %get3A_32 = vector.shape_cast %get3A_31 : vector<1x256x512xf32> to vector<256x512xf32>
    %dot_general3A_33 = arith.constant dense<0.000000e+00> : vector<4096x512xf32>
    %dot_general3A_34 = tpu.matmul %reshape3A_27, %get3A_32, %dot_general3A_33 {dimension_numbers = #tpu.dot_dimension_numbers<[1], [0], [0], [1], [0, 0, 1, 1], [], []>, transpose_lhs_hint = false} : vector<4096x256xf32>, vector<256x512xf32>, vector<4096x512xf32> -> vector<4096x512xf32>
    %add3A_35 = arith.addf %add3A_22, %dot_general3A_34 : vector<4096x512xf32>
    %get3A_36 = arith.constant 1 : index
    %get3A_37 = arith.constant 0 : index
    %get3A_38 = arith.constant 0 : index
    %get3A_39 = vector.load %arg0[%get3A_36, %get3A_37, %get3A_38] : memref<66x66x256xf32, #tpu.memory_space<vmem>>, vector<64x64x256xf32>
    %reshape3A_40 = vector.shape_cast %get3A_39 : vector<64x64x256xf32> to vector<4096x256xf32>
    %get3A_41 = arith.constant 3 : index
    %get3A_42 = arith.constant 0 : index
    %get3A_43 = arith.constant 0 : index
    %get3A_44 = vector.load %arg1[%get3A_41, %get3A_42, %get3A_43] : memref<9x256x512xf32, #tpu.memory_space<vmem>>, vector<1x256x512xf32>
    %get3A_45 = vector.shape_cast %get3A_44 : vector<1x256x512xf32> to vector<256x512xf32>
    %dot_general3A_46 = arith.constant dense<0.000000e+00> : vector<4096x512xf32>
    %dot_general3A_47 = tpu.matmul %reshape3A_40, %get3A_45, %dot_general3A_46 {dimension_numbers = #tpu.dot_dimension_numbers<[1], [0], [0], [1], [0, 0, 1, 1], [], []>, transpose_lhs_hint = false} : vector<4096x256xf32>, vector<256x512xf32>, vector<4096x512xf32> -> vector<4096x512xf32>
    %add3A_48 = arith.addf %add3A_35, %dot_general3A_47 : vector<4096x512xf32>
    %get3A_49 = arith.constant 1 : index
    %get3A_50 = arith.constant 1 : index
    %get3A_51 = arith.constant 0 : index
    %get3A_52 = vector.load %arg0[%get3A_49, %get3A_50, %get3A_51] : memref<66x66x256xf32, #tpu.memory_space<vmem>>, vector<64x64x256xf32>
    %reshape3A_53 = vector.shape_cast %get3A_52 : vector<64x64x256xf32> to vector<4096x256xf32>
    %get3A_54 = arith.constant 4 : index
    %get3A_55 = arith.constant 0 : index
    %get3A_56 = arith.constant 0 : index
    %get3A_57 = vector.load %arg1[%get3A_54, %get3A_55, %get3A_56] : memref<9x256x512xf32, #tpu.memory_space<vmem>>, vector<1x256x512xf32>
    %get3A_58 = vector.shape_cast %get3A_57 : vector<1x256x512xf32> to vector<256x512xf32>
    %dot_general3A_59 = arith.constant dense<0.000000e+00> : vector<4096x512xf32>
    %dot_general3A_60 = tpu.matmul %reshape3A_53, %get3A_58, %dot_general3A_59 {dimension_numbers = #tpu.dot_dimension_numbers<[1], [0], [0], [1], [0, 0, 1, 1], [], []>, transpose_lhs_hint = false} : vector<4096x256xf32>, vector<256x512xf32>, vector<4096x512xf32> -> vector<4096x512xf32>
    %add3A_61 = arith.addf %add3A_48, %dot_general3A_60 : vector<4096x512xf32>
    %get3A_62 = arith.constant 1 : index
    %get3A_63 = arith.constant 2 : index
    %get3A_64 = arith.constant 0 : index
    %get3A_65 = vector.load %arg0[%get3A_62, %get3A_63, %get3A_64] : memref<66x66x256xf32, #tpu.memory_space<vmem>>, vector<64x64x256xf32>
    %reshape3A_66 = vector.shape_cast %get3A_65 : vector<64x64x256xf32> to vector<4096x256xf32>
    %get3A_67 = arith.constant 5 : index
    %get3A_68 = arith.constant 0 : index
    %get3A_69 = arith.constant 0 : index
    %get3A_70 = vector.load %arg1[%get3A_67, %get3A_68, %get3A_69] : memref<9x256x512xf32, #tpu.memory_space<vmem>>, vector<1x256x512xf32>
    %get3A_71 = vector.shape_cast %get3A_70 : vector<1x256x512xf32> to vector<256x512xf32>
    %dot_general3A_72 = arith.constant dense<0.000000e+00> : vector<4096x512xf32>
    %dot_general3A_73 = tpu.matmul %reshape3A_66, %get3A_71, %dot_general3A_72 {dimension_numbers = #tpu.dot_dimension_numbers<[1], [0], [0], [1], [0, 0, 1, 1], [], []>, transpose_lhs_hint = false} : vector<4096x256xf32>, vector<256x512xf32>, vector<4096x512xf32> -> vector<4096x512xf32>
    %add3A_74 = arith.addf %add3A_61, %dot_general3A_73 : vector<4096x512xf32>
    %get3A_75 = arith.constant 2 : index
    %get3A_76 = arith.constant 0 : index
    %get3A_77 = arith.constant 0 : index
    %get3A_78 = vector.load %arg0[%get3A_75, %get3A_76, %get3A_77] : memref<66x66x256xf32, #tpu.memory_space<vmem>>, vector<64x64x256xf32>
    %reshape3A_79 = vector.shape_cast %get3A_78 : vector<64x64x256xf32> to vector<4096x256xf32>
    %get3A_80 = arith.constant 6 : index
    %get3A_81 = arith.constant 0 : index
    %get3A_82 = arith.constant 0 : index
    %get3A_83 = vector.load %arg1[%get3A_80, %get3A_81, %get3A_82] : memref<9x256x512xf32, #tpu.memory_space<vmem>>, vector<1x256x512xf32>
    %get3A_84 = vector.shape_cast %get3A_83 : vector<1x256x512xf32> to vector<256x512xf32>
    %dot_general3A_85 = arith.constant dense<0.000000e+00> : vector<4096x512xf32>
    %dot_general3A_86 = tpu.matmul %reshape3A_79, %get3A_84, %dot_general3A_85 {dimension_numbers = #tpu.dot_dimension_numbers<[1], [0], [0], [1], [0, 0, 1, 1], [], []>, transpose_lhs_hint = false} : vector<4096x256xf32>, vector<256x512xf32>, vector<4096x512xf32> -> vector<4096x512xf32>
    %add3A_87 = arith.addf %add3A_74, %dot_general3A_86 : vector<4096x512xf32>
    %get3A_88 = arith.constant 2 : index
    %get3A_89 = arith.constant 1 : index
    %get3A_90 = arith.constant 0 : index
    %get3A_91 = vector.load %arg0[%get3A_88, %get3A_89, %get3A_90] : memref<66x66x256xf32, #tpu.memory_space<vmem>>, vector<64x64x256xf32>
    %reshape3A_92 = vector.shape_cast %get3A_91 : vector<64x64x256xf32> to vector<4096x256xf32>
    %get3A_93 = arith.constant 7 : index
    %get3A_94 = arith.constant 0 : index
    %get3A_95 = arith.constant 0 : index
    %get3A_96 = vector.load %arg1[%get3A_93, %get3A_94, %get3A_95] : memref<9x256x512xf32, #tpu.memory_space<vmem>>, vector<1x256x512xf32>
    %get3A_97 = vector.shape_cast %get3A_96 : vector<1x256x512xf32> to vector<256x512xf32>
    %dot_general3A_98 = arith.constant dense<0.000000e+00> : vector<4096x512xf32>
    %dot_general3A_99 = tpu.matmul %reshape3A_92, %get3A_97, %dot_general3A_98 {dimension_numbers = #tpu.dot_dimension_numbers<[1], [0], [0], [1], [0, 0, 1, 1], [], []>, transpose_lhs_hint = false} : vector<4096x256xf32>, vector<256x512xf32>, vector<4096x512xf32> -> vector<4096x512xf32>
    %add3A_100 = arith.addf %add3A_87, %dot_general3A_99 : vector<4096x512xf32>
    %get3A_101 = arith.constant 2 : index
    %get3A_102 = arith.constant 2 : index
    %get3A_103 = arith.constant 0 : index
    %get3A_104 = vector.load %arg0[%get3A_101, %get3A_102, %get3A_103] : memref<66x66x256xf32, #tpu.memory_space<vmem>>, vector<64x64x256xf32>
    %reshape3A_105 = vector.shape_cast %get3A_104 : vector<64x64x256xf32> to vector<4096x256xf32>
    %get3A_106 = arith.constant 8 : index
    %get3A_107 = arith.constant 0 : index
    %get3A_108 = arith.constant 0 : index
    %get3A_109 = vector.load %arg1[%get3A_106, %get3A_107, %get3A_108] : memref<9x256x512xf32, #tpu.memory_space<vmem>>, vector<1x256x512xf32>
    %get3A_110 = vector.shape_cast %get3A_109 : vector<1x256x512xf32> to vector<256x512xf32>
    %dot_general3A_111 = arith.constant dense<0.000000e+00> : vector<4096x512xf32>
    %dot_general3A_112 = tpu.matmul %reshape3A_105, %get3A_110, %dot_general3A_111 {dimension_numbers = #tpu.dot_dimension_numbers<[1], [0], [0], [1], [0, 0, 1, 1], [], []>, transpose_lhs_hint = false} : vector<4096x256xf32>, vector<256x512xf32>, vector<4096x512xf32> -> vector<4096x512xf32>
    %add3A_113 = arith.addf %add3A_100, %dot_general3A_112 : vector<4096x512xf32>
    %get3A_114 = arith.constant 0 : index
    %get3A_115 = arith.constant 0 : index
    %get3A_116 = vector.load %arg2[%get3A_114, %get3A_115] : memref<1x512xf32, #tpu.memory_space<vmem>>, vector<1x512xf32>
    %add3A_117 = vector.broadcast %get3A_116 : vector<1x512xf32> to vector<4096x512xf32>
    %add3A_118 = arith.addf %add3A_113, %add3A_117 : vector<4096x512xf32>
    %max3A = arith.constant 0.000000e+00 : f32
    %max3A_119 = vector.broadcast %max3A : f32 to vector<4096x512xf32>
    %max3A_120 = arith.maximumf %add3A_118, %max3A_119 : vector<4096x512xf32>
    %get3A_121 = arith.constant 0 : index
    %get3A_122 = arith.constant 0 : index
    %get3A_123 = vector.load %arg3[%get3A_121, %get3A_122] : memref<512x18xf32, #tpu.memory_space<vmem>>, vector<512x18xf32>
    %dot_general3A_124 = arith.constant dense<0.000000e+00> : vector<4096x18xf32>
    %dot_general3A_125 = tpu.matmul %max3A_120, %get3A_123, %dot_general3A_124 {dimension_numbers = #tpu.dot_dimension_numbers<[1], [0], [0], [1], [0, 0, 1, 1], [], []>, transpose_lhs_hint = false} : vector<4096x512xf32>, vector<512x18xf32>, vector<4096x18xf32> -> vector<4096x18xf32>
    %get3A_126 = arith.constant 0 : index
    %get3A_127 = arith.constant 0 : index
    %get3A_128 = vector.load %arg4[%get3A_126, %get3A_127] : memref<1x18xf32, #tpu.memory_space<vmem>>, vector<1x18xf32>
    %add3A_129 = vector.broadcast %get3A_128 : vector<1x18xf32> to vector<4096x18xf32>
    %add3A_130 = arith.addf %dot_general3A_125, %add3A_129 : vector<4096x18xf32>
    %slice3A = vector.extract_strided_slice %add3A_130 {offsets = [0, 0], sizes = [4096, 9], strides = [1, 1]} : vector<4096x18xf32> to vector<4096x9xf32>
    %slice3A_131 = vector.extract_strided_slice %add3A_130 {offsets = [0, 9], sizes = [4096, 9], strides = [1, 1]} : vector<4096x18xf32> to vector<4096x9xf32>
    %max3A_132 = arith.maximumf %slice3A, %slice3A_131 : vector<4096x9xf32>
    %sub3A = arith.subf %slice3A, %max3A_132 : vector<4096x9xf32>
    %exp3A = math.exp %sub3A : vector<4096x9xf32>
    %sub3A_133 = arith.subf %slice3A_131, %max3A_132 : vector<4096x9xf32>
    %exp3A_134 = math.exp %sub3A_133 : vector<4096x9xf32>
    %add3A_135 = arith.addf %exp3A, %exp3A_134 : vector<4096x9xf32>
    %div3A = arith.divf %exp3A_134, %add3A_135 : vector<4096x9xf32>
    %get3A_136 = arith.constant 0 : index
    %get3A_137 = arith.constant 0 : index
    %get3A_138 = vector.load %arg5[%get3A_136, %get3A_137] : memref<512x36xf32, #tpu.memory_space<vmem>>, vector<512x36xf32>
    %dot_general3A_139 = arith.constant dense<0.000000e+00> : vector<4096x36xf32>
    %dot_general3A_140 = tpu.matmul %max3A_120, %get3A_138, %dot_general3A_139 {dimension_numbers = #tpu.dot_dimension_numbers<[1], [0], [0], [1], [0, 0, 1, 1], [], []>, transpose_lhs_hint = false} : vector<4096x512xf32>, vector<512x36xf32>, vector<4096x36xf32> -> vector<4096x36xf32>
    %get3A_141 = arith.constant 0 : index
    %get3A_142 = arith.constant 0 : index
    %get3A_143 = vector.load %arg6[%get3A_141, %get3A_142] : memref<1x36xf32, #tpu.memory_space<vmem>>, vector<1x36xf32>
    %add3A_144 = vector.broadcast %get3A_143 : vector<1x36xf32> to vector<4096x36xf32>
    %add3A_145 = arith.addf %dot_general3A_140, %add3A_144 : vector<4096x36xf32>
    %slice3A_146 = vector.extract_strided_slice %add3A_145 {offsets = [0, 0], sizes = [4096, 9], strides = [1, 1]} : vector<4096x36xf32> to vector<4096x9xf32>
    %slice3A_147 = vector.extract_strided_slice %add3A_145 {offsets = [0, 9], sizes = [4096, 9], strides = [1, 1]} : vector<4096x36xf32> to vector<4096x9xf32>
    %slice3A_148 = vector.extract_strided_slice %add3A_145 {offsets = [0, 18], sizes = [4096, 9], strides = [1, 1]} : vector<4096x36xf32> to vector<4096x9xf32>
    %slice3A_149 = vector.extract_strided_slice %add3A_145 {offsets = [0, 27], sizes = [4096, 9], strides = [1, 1]} : vector<4096x36xf32> to vector<4096x9xf32>
    %get3A_150 = arith.constant 0 : index
    %get3A_151 = arith.constant 0 : index
    %get3A_152 = vector.load %arg8[%get3A_150, %get3A_151] : memref<4x9xf32, #tpu.memory_space<vmem>>, vector<1x9xf32>
    %get3A_153 = arith.constant 1 : index
    %get3A_154 = arith.constant 0 : index
    %get3A_155 = vector.load %arg8[%get3A_153, %get3A_154] : memref<4x9xf32, #tpu.memory_space<vmem>>, vector<1x9xf32>
    %iota3A = tpu.iota {dimensions = array<i32: 0>} : vector<4096x9xi32>
    %jit3A = arith.constant 64 : i32
    %eq3A = arith.constant 0 : i32
    %eq3A_156 = arith.cmpi eq, %jit3A, %eq3A : i32
    %jit3A_157 = arith.constant 1 : i32
    %select_n3A = arith.select %eq3A_156, %jit3A_157, %jit3A : i32
    %rem3A = vector.broadcast %select_n3A : i32 to vector<4096x9xi32>
    %rem3A_158 = arith.remsi %iota3A, %rem3A : vector<4096x9xi32>
    %ne3A = arith.constant 0 : i32
    %ne3A_159 = vector.broadcast %ne3A : i32 to vector<4096x9xi32>
    %ne3A_160 = arith.cmpi ne, %rem3A_158, %ne3A_159 : vector<4096x9xi32>
    %lt3A = arith.constant 0 : i32
    %lt3A_161 = vector.broadcast %lt3A : i32 to vector<4096x9xi32>
    %lt3A_162 = arith.cmpi slt, %rem3A_158, %lt3A_161 : vector<4096x9xi32>
    %lt3A_163 = arith.constant 0 : i32
    %lt3A_164 = arith.cmpi slt, %select_n3A, %lt3A_163 : i32
    %ne3A_165 = vector.broadcast %lt3A_164 : i1 to vector<4096x9xi1>
    %ne3A_166 = vector.broadcast %ne3A_165 : vector<4096x9xi1> to vector<4096x9xi1>
    %ne3A_167 = arith.xori %lt3A_162, %ne3A_166 : vector<4096x9xi1>
    %and3A = arith.andi %ne3A_167, %ne3A_160 : vector<4096x9xi1>
    %add3A_168 = vector.broadcast %select_n3A : i32 to vector<4096x9xi32>
    %add3A_169 = arith.addi %rem3A_158, %add3A_168 : vector<4096x9xi32>
    %select_n3A_170 = arith.select %and3A, %add3A_169, %rem3A_158 : vector<4096x9xi1>, vector<4096x9xi32>
    %mul3A = arith.constant 16 : i32
    %mul3A_171 = vector.broadcast %mul3A : i32 to vector<4096x9xi32>
    %mul3A_172 = arith.muli %select_n3A_170, %mul3A_171 : vector<4096x9xi32>
    %convert_element_type3A = arith.sitofp %mul3A_172 : vector<4096x9xi32> to vector<4096x9xf32>
    %jit3A_173 = arith.constant 64 : i32
    %div3A_174 = vector.broadcast %jit3A_173 : i32 to vector<4096x9xi32>
    %div3A_175 = arith.divsi %iota3A, %div3A_174 : vector<4096x9xi32>
    %sign3A = arith.constant 0 : i32
    %sign3A_176 = vector.broadcast %sign3A : i32 to vector<4096x9xi32>
    %sign3A_177 = arith.cmpi sgt, %iota3A, %sign3A_176 : vector<4096x9xi32>
    %sign3A_178 = arith.extui %sign3A_177 : vector<4096x9xi1> to vector<4096x9xi32>
    %sign3A_179 = arith.constant 0 : i32
    %sign3A_180 = vector.broadcast %sign3A_179 : i32 to vector<4096x9xi32>
    %sign3A_181 = arith.cmpi slt, %iota3A, %sign3A_180 : vector<4096x9xi32>
    %sign3A_182 = arith.extui %sign3A_181 : vector<4096x9xi1> to vector<4096x9xi32>
    %sign3A_183 = arith.subi %sign3A_178, %sign3A_182 : vector<4096x9xi32>
    %sign3A_184 = arith.constant 0 : i32
    %sign3A_185 = arith.cmpi sgt, %jit3A_173, %sign3A_184 : i32
    %sign3A_186 = arith.extui %sign3A_185 : i1 to i32
    %sign3A_187 = arith.constant 0 : i32
    %sign3A_188 = arith.cmpi slt, %jit3A_173, %sign3A_187 : i32
    %sign3A_189 = arith.extui %sign3A_188 : i1 to i32
    %sign3A_190 = arith.subi %sign3A_186, %sign3A_189 : i32
    %ne3A_191 = vector.broadcast %sign3A_190 : i32 to vector<4096x9xi32>
    %ne3A_192 = arith.cmpi ne, %sign3A_183, %ne3A_191 : vector<4096x9xi32>
    %rem3A_193 = vector.broadcast %jit3A_173 : i32 to vector<4096x9xi32>
    %rem3A_194 = arith.remsi %iota3A, %rem3A_193 : vector<4096x9xi32>
    %ne3A_195 = arith.constant 0 : i32
    %ne3A_196 = vector.broadcast %ne3A_195 : i32 to vector<4096x9xi32>
    %ne3A_197 = arith.cmpi ne, %rem3A_194, %ne3A_196 : vector<4096x9xi32>
    %and3A_198 = arith.andi %ne3A_192, %ne3A_197 : vector<4096x9xi1>
    %sub3A_199 = arith.constant 1 : i32
    %sub3A_200 = vector.broadcast %sub3A_199 : i32 to vector<4096x9xi32>
    %sub3A_201 = arith.subi %div3A_175, %sub3A_200 : vector<4096x9xi32>
    %select_n3A_202 = arith.select %and3A_198, %sub3A_201, %div3A_175 : vector<4096x9xi1>, vector<4096x9xi32>
    %mul3A_203 = arith.constant 16 : i32
    %mul3A_204 = vector.broadcast %mul3A_203 : i32 to vector<4096x9xi32>
    %mul3A_205 = arith.muli %select_n3A_202, %mul3A_204 : vector<4096x9xi32>
    %convert_element_type3A_206 = arith.sitofp %mul3A_205 : vector<4096x9xi32> to vector<4096x9xf32>
    %get3A_207 = arith.constant 2 : index
    %get3A_208 = arith.constant 0 : index
    %get3A_209 = vector.load %arg8[%get3A_207, %get3A_208] : memref<4x9xf32, #tpu.memory_space<vmem>>, vector<1x9xf32>
    %add3A_210 = vector.broadcast %get3A_209 : vector<1x9xf32> to vector<4096x9xf32>
    %add3A_211 = arith.addf %add3A_210, %convert_element_type3A : vector<4096x9xf32>
    %get3A_212 = arith.constant 3 : index
    %get3A_213 = arith.constant 0 : index
    %get3A_214 = vector.load %arg8[%get3A_212, %get3A_213] : memref<4x9xf32, #tpu.memory_space<vmem>>, vector<1x9xf32>
    %add3A_215 = vector.broadcast %get3A_214 : vector<1x9xf32> to vector<4096x9xf32>
    %add3A_216 = arith.addf %add3A_215, %convert_element_type3A_206 : vector<4096x9xf32>
    %mul3A_217 = vector.broadcast %get3A_152 : vector<1x9xf32> to vector<4096x9xf32>
    %mul3A_218 = arith.mulf %slice3A_146, %mul3A_217 : vector<4096x9xf32>
    %add3A_219 = arith.addf %mul3A_218, %add3A_211 : vector<4096x9xf32>
    %mul3A_220 = vector.broadcast %get3A_155 : vector<1x9xf32> to vector<4096x9xf32>
    %mul3A_221 = arith.mulf %slice3A_147, %mul3A_220 : vector<4096x9xf32>
    %add3A_222 = arith.addf %mul3A_221, %add3A_216 : vector<4096x9xf32>
    %exp3A_223 = math.exp %slice3A_148 : vector<4096x9xf32>
    %mul3A_224 = vector.broadcast %get3A_152 : vector<1x9xf32> to vector<4096x9xf32>
    %mul3A_225 = arith.mulf %exp3A_223, %mul3A_224 : vector<4096x9xf32>
    %exp3A_226 = math.exp %slice3A_149 : vector<4096x9xf32>
    %mul3A_227 = vector.broadcast %get3A_155 : vector<1x9xf32> to vector<4096x9xf32>
    %mul3A_228 = arith.mulf %exp3A_226, %mul3A_227 : vector<4096x9xf32>
    %mul3A_229 = arith.constant 5.000000e-01 : f32
    %mul3A_230 = vector.broadcast %mul3A_229 : f32 to vector<4096x9xf32>
    %mul3A_231 = arith.mulf %mul3A_230, %mul3A_225 : vector<4096x9xf32>
    %sub3A_232 = arith.subf %add3A_219, %mul3A_231 : vector<4096x9xf32>
    %mul3A_233 = arith.constant 5.000000e-01 : f32
    %mul3A_234 = vector.broadcast %mul3A_233 : f32 to vector<4096x9xf32>
    %mul3A_235 = arith.mulf %mul3A_234, %mul3A_228 : vector<4096x9xf32>
    %sub3A_236 = arith.subf %add3A_222, %mul3A_235 : vector<4096x9xf32>
    %mul3A_237 = arith.constant 5.000000e-01 : f32
    %mul3A_238 = vector.broadcast %mul3A_237 : f32 to vector<4096x9xf32>
    %mul3A_239 = arith.mulf %mul3A_238, %mul3A_225 : vector<4096x9xf32>
    %add3A_240 = arith.addf %add3A_219, %mul3A_239 : vector<4096x9xf32>
    %mul3A_241 = arith.constant 5.000000e-01 : f32
    %mul3A_242 = vector.broadcast %mul3A_241 : f32 to vector<4096x9xf32>
    %mul3A_243 = arith.mulf %mul3A_242, %mul3A_228 : vector<4096x9xf32>
    %add3A_244 = arith.addf %add3A_222, %mul3A_243 : vector<4096x9xf32>
    %get3A_245 = arith.constant 0 : index
    %get3A_246 = arith.constant 0 : index
    %get3A_247 = vector.load %arg7[%get3A_245, %get3A_246] : memref<1x128xf32, #tpu.memory_space<vmem>>, vector<1x1xf32>
    %sub3A_248 = arith.constant 1.000000e+00 : f32
    %sub3A_249 = vector.broadcast %sub3A_248 : f32 to vector<1x1xf32>
    %sub3A_250 = arith.subf %get3A_247, %sub3A_249 : vector<1x1xf32>
    %get3A_251 = arith.constant 0 : index
    %get3A_252 = arith.constant 1 : index
    %get3A_253 = vector.load %arg7[%get3A_251, %get3A_252] : memref<1x128xf32, #tpu.memory_space<vmem>>, vector<1x1xf32>
    %sub3A_254 = arith.constant 1.000000e+00 : f32
    %sub3A_255 = vector.broadcast %sub3A_254 : f32 to vector<1x1xf32>
    %sub3A_256 = arith.subf %get3A_253, %sub3A_255 : vector<1x1xf32>
    %get3A_257 = arith.constant 0 : index
    %get3A_258 = arith.constant 2 : index
    %get3A_259 = vector.load %arg7[%get3A_257, %get3A_258] : memref<1x128xf32, #tpu.memory_space<vmem>>, vector<1x1xf32>
    %mul3A_260 = arith.constant 1.600000e+01 : f32
    %mul3A_261 = vector.broadcast %mul3A_260 : f32 to vector<1x1xf32>
    %mul3A_262 = arith.mulf %mul3A_261, %get3A_259 : vector<1x1xf32>
    %jit3A_263 = arith.constant 0.000000e+00 : f32
    %max3A_264 = vector.broadcast %jit3A_263 : f32 to vector<4096x9xf32>
    %max3A_265 = arith.maximumf %max3A_264, %sub3A_232 : vector<4096x9xf32>
    %min3A = vector.broadcast %sub3A_256 : vector<1x1xf32> to vector<4096x9xf32>
    %min3A_266 = arith.minimumf %min3A, %max3A_265 : vector<4096x9xf32>
    %jit3A_267 = arith.constant 0.000000e+00 : f32
    %max3A_268 = vector.broadcast %jit3A_267 : f32 to vector<4096x9xf32>
    %max3A_269 = arith.maximumf %max3A_268, %sub3A_236 : vector<4096x9xf32>
    %min3A_270 = vector.broadcast %sub3A_250 : vector<1x1xf32> to vector<4096x9xf32>
    %min3A_271 = arith.minimumf %min3A_270, %max3A_269 : vector<4096x9xf32>
    %jit3A_272 = arith.constant 0.000000e+00 : f32
    %max3A_273 = vector.broadcast %jit3A_272 : f32 to vector<4096x9xf32>
    %max3A_274 = arith.maximumf %max3A_273, %add3A_240 : vector<4096x9xf32>
    %min3A_275 = vector.broadcast %sub3A_256 : vector<1x1xf32> to vector<4096x9xf32>
    %min3A_276 = arith.minimumf %min3A_275, %max3A_274 : vector<4096x9xf32>
    %jit3A_277 = arith.constant 0.000000e+00 : f32
    %max3A_278 = vector.broadcast %jit3A_277 : f32 to vector<4096x9xf32>
    %max3A_279 = arith.maximumf %max3A_278, %add3A_244 : vector<4096x9xf32>
    %min3A_280 = vector.broadcast %sub3A_250 : vector<1x1xf32> to vector<4096x9xf32>
    %min3A_281 = arith.minimumf %min3A_280, %max3A_279 : vector<4096x9xf32>
    %sub3A_282 = arith.subf %min3A_276, %min3A_266 : vector<4096x9xf32>
    %add3A_283 = arith.constant 1.000000e+00 : f32
    %add3A_284 = vector.broadcast %add3A_283 : f32 to vector<4096x9xf32>
    %add3A_285 = arith.addf %sub3A_282, %add3A_284 : vector<4096x9xf32>
    %sub3A_286 = arith.subf %min3A_281, %min3A_271 : vector<4096x9xf32>
    %add3A_287 = arith.constant 1.000000e+00 : f32
    %add3A_288 = vector.broadcast %add3A_287 : f32 to vector<4096x9xf32>
    %add3A_289 = arith.addf %sub3A_286, %add3A_288 : vector<4096x9xf32>
    %ge3A = vector.broadcast %mul3A_262 : vector<1x1xf32> to vector<4096x9xf32>
    %ge3A_290 = arith.cmpf oge, %add3A_285, %ge3A : vector<4096x9xf32>
    %ge3A_291 = vector.broadcast %mul3A_262 : vector<1x1xf32> to vector<4096x9xf32>
    %ge3A_292 = arith.cmpf oge, %add3A_289, %ge3A_291 : vector<4096x9xf32>
    %and3A_293 = arith.andi %ge3A_290, %ge3A_292 : vector<4096x9xi1>
    %jit3A_294 = arith.constant -1.000000e+09 : f32
    %broadcast_in_dim3A_295 = vector.broadcast %jit3A_294 : f32 to vector<4096x9xf32>
    %select_n3A_296 = arith.select %and3A_293, %div3A, %broadcast_in_dim3A_295 : vector<4096x9xi1>, vector<4096x9xf32>
    %swap3A = arith.constant 0 : index
    %swap3A_297 = arith.constant 0 : index
    %swap3A_298 = vector.load %arg9[%swap3A, %swap3A_297] : memref<4096x9xf32, #tpu.memory_space<vmem>>, vector<4096x9xf32>
    tpu.vector_store %arg9[%swap3A, %swap3A_297], %select_n3A_296 {strides = array<i32>} : memref<4096x9xf32, #tpu.memory_space<vmem>>, vector<4096x9xf32>,
    %swap3A_299 = arith.constant 0 : index
    %swap3A_300 = arith.constant 0 : index
    %swap3A_301 = vector.load %arg10[%swap3A_299, %swap3A_300] : memref<4096x9xf32, #tpu.memory_space<vmem>>, vector<4096x9xf32>
    tpu.vector_store %arg10[%swap3A_299, %swap3A_300], %min3A_266 {strides = array<i32>} : memref<4096x9xf32, #tpu.memory_space<vmem>>, vector<4096x9xf32>,
    %swap3A_302 = arith.constant 0 : index
    %swap3A_303 = arith.constant 0 : index
    %swap3A_304 = vector.load %arg11[%swap3A_302, %swap3A_303] : memref<4096x9xf32, #tpu.memory_space<vmem>>, vector<4096x9xf32>
    tpu.vector_store %arg11[%swap3A_302, %swap3A_303], %min3A_271 {strides = array<i32>} : memref<4096x9xf32, #tpu.memory_space<vmem>>, vector<4096x9xf32>,
    %swap3A_305 = arith.constant 0 : index
    %swap3A_306 = arith.constant 0 : index
    %swap3A_307 = vector.load %arg12[%swap3A_305, %swap3A_306] : memref<4096x9xf32, #tpu.memory_space<vmem>>, vector<4096x9xf32>
    tpu.vector_store %arg12[%swap3A_305, %swap3A_306], %min3A_276 {strides = array<i32>} : memref<4096x9xf32, #tpu.memory_space<vmem>>, vector<4096x9xf32>,
    %swap3A_308 = arith.constant 0 : index
    %swap3A_309 = arith.constant 0 : index
    %swap3A_310 = vector.load %arg13[%swap3A_308, %swap3A_309] : memref<4096x9xf32, #tpu.memory_space<vmem>>, vector<4096x9xf32>
    tpu.vector_store %arg13[%swap3A_308, %swap3A_309], %min3A_281 {strides = array<i32>} : memref<4096x9xf32, #tpu.memory_space<vmem>>, vector<4096x9xf32>,
    return
  }
}

module attributes {stable_mosaic.version = 14 : i64} {
  func.func @_thresh_body(%arg0: memref<288x128xf32, #tpu.memory_space<vmem>>, %arg1: memref<288x128xf32, #tpu.memory_space<vmem>>, %arg2: memref<1x32xi32, #tpu.memory_space<vmem>>) attributes {dimension_semantics = [], scalar_prefetch = 0 : i64, scratch_operands = 0 : i64, tpu.core_type = #tpu.core_type<tc>} {
    %get3A = arith.constant 0 : index
    %get3A_0 = arith.constant 0 : index
    %get3A_1 = vector.load %arg0[%get3A, %get3A_0] : memref<288x128xf32, #tpu.memory_space<vmem>>, vector<288x128xf32>
    %bitcast_convert_type3A = tpu.bitcast %get3A_1 : vector<288x128xf32> -> vector<288x128xi32>
    %shift_right_arithmetic3A = arith.constant 31 : i32
    %shift_right_arithmetic3A_2 = vector.broadcast %shift_right_arithmetic3A : i32 to vector<288x128xi32>
    %shift_right_arithmetic3A_3 = arith.shrsi %bitcast_convert_type3A, %shift_right_arithmetic3A_2 : vector<288x128xi32>
    %and3A = arith.constant 2147483647 : i32
    %and3A_4 = vector.broadcast %and3A : i32 to vector<288x128xi32>
    %and3A_5 = arith.andi %shift_right_arithmetic3A_3, %and3A_4 : vector<288x128xi32>
    %xor3A = arith.xori %bitcast_convert_type3A, %and3A_5 : vector<288x128xi32>
    %or3A = arith.constant 0 : i32
    %or3A_6 = arith.constant -2147483648 : i32
    %or3A_7 = arith.ori %or3A, %or3A_6 : i32
    %xor3A_8 = arith.constant -2147483648 : i32
    %xor3A_9 = arith.xori %or3A_7, %xor3A_8 : i32
    %ge3A = vector.broadcast %xor3A_9 : i32 to vector<288x128xi32>
    %ge3A_10 = arith.cmpi sge, %xor3A, %ge3A : vector<288x128xi32>
    %convert_element_type3A = arith.extui %ge3A_10 : vector<288x128xi1> to vector<288x128xi32>
    %reduce_sum3A = vector.shape_cast %convert_element_type3A : vector<288x128xi32> to vector<1x288x128xi32>
    %reduce_sum3A_11 = arith.constant dense<0> : vector<1xi32>
    %reduce_sum3A_12 = vector.multi_reduction <add>, %reduce_sum3A, %reduce_sum3A_11 [1, 2] : vector<1x288x128xi32> to vector<1xi32>
    %reduce_sum3A_13 = vector.shape_cast %reduce_sum3A_12 : vector<1xi32> to vector<1x1x1xi32>
    %reduce_sum3A_14 = vector.extract %reduce_sum3A_13[0, 0, 0] : i32 from vector<1x1x1xi32>
    %ge3A_15 = arith.constant 6000 : i32
    %ge3A_16 = arith.cmpi sge, %reduce_sum3A_14, %ge3A_15 : i32
    %jit3A = arith.constant 0 : i32
    %select_n3A = arith.select %ge3A_16, %or3A_7, %jit3A : i32
    %or3A_17 = arith.constant 1073741824 : i32
    %or3A_18 = arith.ori %select_n3A, %or3A_17 : i32
    %xor3A_19 = arith.constant -2147483648 : i32
    %xor3A_20 = arith.xori %or3A_18, %xor3A_19 : i32
    %ge3A_21 = vector.broadcast %xor3A_20 : i32 to vector<288x128xi32>
    %ge3A_22 = arith.cmpi sge, %xor3A, %ge3A_21 : vector<288x128xi32>
    %convert_element_type3A_23 = arith.extui %ge3A_22 : vector<288x128xi1> to vector<288x128xi32>
    %reduce_sum3A_24 = vector.shape_cast %convert_element_type3A_23 : vector<288x128xi32> to vector<1x288x128xi32>
    %reduce_sum3A_25 = arith.constant dense<0> : vector<1xi32>
    %reduce_sum3A_26 = vector.multi_reduction <add>, %reduce_sum3A_24, %reduce_sum3A_25 [1, 2] : vector<1x288x128xi32> to vector<1xi32>
    %reduce_sum3A_27 = vector.shape_cast %reduce_sum3A_26 : vector<1xi32> to vector<1x1x1xi32>
    %reduce_sum3A_28 = vector.extract %reduce_sum3A_27[0, 0, 0] : i32 from vector<1x1x1xi32>
    %ge3A_29 = arith.constant 6000 : i32
    %ge3A_30 = arith.cmpi sge, %reduce_sum3A_28, %ge3A_29 : i32
    %select_n3A_31 = arith.select %ge3A_30, %or3A_18, %select_n3A : i32
    %or3A_32 = arith.constant 536870912 : i32
    %or3A_33 = arith.ori %select_n3A_31, %or3A_32 : i32
    %xor3A_34 = arith.constant -2147483648 : i32
    %xor3A_35 = arith.xori %or3A_33, %xor3A_34 : i32
    %ge3A_36 = vector.broadcast %xor3A_35 : i32 to vector<288x128xi32>
    %ge3A_37 = arith.cmpi sge, %xor3A, %ge3A_36 : vector<288x128xi32>
    %convert_element_type3A_38 = arith.extui %ge3A_37 : vector<288x128xi1> to vector<288x128xi32>
    %reduce_sum3A_39 = vector.shape_cast %convert_element_type3A_38 : vector<288x128xi32> to vector<1x288x128xi32>
    %reduce_sum3A_40 = arith.constant dense<0> : vector<1xi32>
    %reduce_sum3A_41 = vector.multi_reduction <add>, %reduce_sum3A_39, %reduce_sum3A_40 [1, 2] : vector<1x288x128xi32> to vector<1xi32>
    %reduce_sum3A_42 = vector.shape_cast %reduce_sum3A_41 : vector<1xi32> to vector<1x1x1xi32>
    %reduce_sum3A_43 = vector.extract %reduce_sum3A_42[0, 0, 0] : i32 from vector<1x1x1xi32>
    %ge3A_44 = arith.constant 6000 : i32
    %ge3A_45 = arith.cmpi sge, %reduce_sum3A_43, %ge3A_44 : i32
    %select_n3A_46 = arith.select %ge3A_45, %or3A_33, %select_n3A_31 : i32
    %or3A_47 = arith.constant 268435456 : i32
    %or3A_48 = arith.ori %select_n3A_46, %or3A_47 : i32
    %xor3A_49 = arith.constant -2147483648 : i32
    %xor3A_50 = arith.xori %or3A_48, %xor3A_49 : i32
    %ge3A_51 = vector.broadcast %xor3A_50 : i32 to vector<288x128xi32>
    %ge3A_52 = arith.cmpi sge, %xor3A, %ge3A_51 : vector<288x128xi32>
    %convert_element_type3A_53 = arith.extui %ge3A_52 : vector<288x128xi1> to vector<288x128xi32>
    %reduce_sum3A_54 = vector.shape_cast %convert_element_type3A_53 : vector<288x128xi32> to vector<1x288x128xi32>
    %reduce_sum3A_55 = arith.constant dense<0> : vector<1xi32>
    %reduce_sum3A_56 = vector.multi_reduction <add>, %reduce_sum3A_54, %reduce_sum3A_55 [1, 2] : vector<1x288x128xi32> to vector<1xi32>
    %reduce_sum3A_57 = vector.shape_cast %reduce_sum3A_56 : vector<1xi32> to vector<1x1x1xi32>
    %reduce_sum3A_58 = vector.extract %reduce_sum3A_57[0, 0, 0] : i32 from vector<1x1x1xi32>
    %ge3A_59 = arith.constant 6000 : i32
    %ge3A_60 = arith.cmpi sge, %reduce_sum3A_58, %ge3A_59 : i32
    %select_n3A_61 = arith.select %ge3A_60, %or3A_48, %select_n3A_46 : i32
    %or3A_62 = arith.constant 134217728 : i32
    %or3A_63 = arith.ori %select_n3A_61, %or3A_62 : i32
    %xor3A_64 = arith.constant -2147483648 : i32
    %xor3A_65 = arith.xori %or3A_63, %xor3A_64 : i32
    %ge3A_66 = vector.broadcast %xor3A_65 : i32 to vector<288x128xi32>
    %ge3A_67 = arith.cmpi sge, %xor3A, %ge3A_66 : vector<288x128xi32>
    %convert_element_type3A_68 = arith.extui %ge3A_67 : vector<288x128xi1> to vector<288x128xi32>
    %reduce_sum3A_69 = vector.shape_cast %convert_element_type3A_68 : vector<288x128xi32> to vector<1x288x128xi32>
    %reduce_sum3A_70 = arith.constant dense<0> : vector<1xi32>
    %reduce_sum3A_71 = vector.multi_reduction <add>, %reduce_sum3A_69, %reduce_sum3A_70 [1, 2] : vector<1x288x128xi32> to vector<1xi32>
    %reduce_sum3A_72 = vector.shape_cast %reduce_sum3A_71 : vector<1xi32> to vector<1x1x1xi32>
    %reduce_sum3A_73 = vector.extract %reduce_sum3A_72[0, 0, 0] : i32 from vector<1x1x1xi32>
    %ge3A_74 = arith.constant 6000 : i32
    %ge3A_75 = arith.cmpi sge, %reduce_sum3A_73, %ge3A_74 : i32
    %select_n3A_76 = arith.select %ge3A_75, %or3A_63, %select_n3A_61 : i32
    %or3A_77 = arith.constant 67108864 : i32
    %or3A_78 = arith.ori %select_n3A_76, %or3A_77 : i32
    %xor3A_79 = arith.constant -2147483648 : i32
    %xor3A_80 = arith.xori %or3A_78, %xor3A_79 : i32
    %ge3A_81 = vector.broadcast %xor3A_80 : i32 to vector<288x128xi32>
    %ge3A_82 = arith.cmpi sge, %xor3A, %ge3A_81 : vector<288x128xi32>
    %convert_element_type3A_83 = arith.extui %ge3A_82 : vector<288x128xi1> to vector<288x128xi32>
    %reduce_sum3A_84 = vector.shape_cast %convert_element_type3A_83 : vector<288x128xi32> to vector<1x288x128xi32>
    %reduce_sum3A_85 = arith.constant dense<0> : vector<1xi32>
    %reduce_sum3A_86 = vector.multi_reduction <add>, %reduce_sum3A_84, %reduce_sum3A_85 [1, 2] : vector<1x288x128xi32> to vector<1xi32>
    %reduce_sum3A_87 = vector.shape_cast %reduce_sum3A_86 : vector<1xi32> to vector<1x1x1xi32>
    %reduce_sum3A_88 = vector.extract %reduce_sum3A_87[0, 0, 0] : i32 from vector<1x1x1xi32>
    %ge3A_89 = arith.constant 6000 : i32
    %ge3A_90 = arith.cmpi sge, %reduce_sum3A_88, %ge3A_89 : i32
    %select_n3A_91 = arith.select %ge3A_90, %or3A_78, %select_n3A_76 : i32
    %or3A_92 = arith.constant 33554432 : i32
    %or3A_93 = arith.ori %select_n3A_91, %or3A_92 : i32
    %xor3A_94 = arith.constant -2147483648 : i32
    %xor3A_95 = arith.xori %or3A_93, %xor3A_94 : i32
    %ge3A_96 = vector.broadcast %xor3A_95 : i32 to vector<288x128xi32>
    %ge3A_97 = arith.cmpi sge, %xor3A, %ge3A_96 : vector<288x128xi32>
    %convert_element_type3A_98 = arith.extui %ge3A_97 : vector<288x128xi1> to vector<288x128xi32>
    %reduce_sum3A_99 = vector.shape_cast %convert_element_type3A_98 : vector<288x128xi32> to vector<1x288x128xi32>
    %reduce_sum3A_100 = arith.constant dense<0> : vector<1xi32>
    %reduce_sum3A_101 = vector.multi_reduction <add>, %reduce_sum3A_99, %reduce_sum3A_100 [1, 2] : vector<1x288x128xi32> to vector<1xi32>
    %reduce_sum3A_102 = vector.shape_cast %reduce_sum3A_101 : vector<1xi32> to vector<1x1x1xi32>
    %reduce_sum3A_103 = vector.extract %reduce_sum3A_102[0, 0, 0] : i32 from vector<1x1x1xi32>
    %ge3A_104 = arith.constant 6000 : i32
    %ge3A_105 = arith.cmpi sge, %reduce_sum3A_103, %ge3A_104 : i32
    %select_n3A_106 = arith.select %ge3A_105, %or3A_93, %select_n3A_91 : i32
    %or3A_107 = arith.constant 16777216 : i32
    %or3A_108 = arith.ori %select_n3A_106, %or3A_107 : i32
    %xor3A_109 = arith.constant -2147483648 : i32
    %xor3A_110 = arith.xori %or3A_108, %xor3A_109 : i32
    %ge3A_111 = vector.broadcast %xor3A_110 : i32 to vector<288x128xi32>
    %ge3A_112 = arith.cmpi sge, %xor3A, %ge3A_111 : vector<288x128xi32>
    %convert_element_type3A_113 = arith.extui %ge3A_112 : vector<288x128xi1> to vector<288x128xi32>
    %reduce_sum3A_114 = vector.shape_cast %convert_element_type3A_113 : vector<288x128xi32> to vector<1x288x128xi32>
    %reduce_sum3A_115 = arith.constant dense<0> : vector<1xi32>
    %reduce_sum3A_116 = vector.multi_reduction <add>, %reduce_sum3A_114, %reduce_sum3A_115 [1, 2] : vector<1x288x128xi32> to vector<1xi32>
    %reduce_sum3A_117 = vector.shape_cast %reduce_sum3A_116 : vector<1xi32> to vector<1x1x1xi32>
    %reduce_sum3A_118 = vector.extract %reduce_sum3A_117[0, 0, 0] : i32 from vector<1x1x1xi32>
    %ge3A_119 = arith.constant 6000 : i32
    %ge3A_120 = arith.cmpi sge, %reduce_sum3A_118, %ge3A_119 : i32
    %select_n3A_121 = arith.select %ge3A_120, %or3A_108, %select_n3A_106 : i32
    %or3A_122 = arith.constant 8388608 : i32
    %or3A_123 = arith.ori %select_n3A_121, %or3A_122 : i32
    %xor3A_124 = arith.constant -2147483648 : i32
    %xor3A_125 = arith.xori %or3A_123, %xor3A_124 : i32
    %ge3A_126 = vector.broadcast %xor3A_125 : i32 to vector<288x128xi32>
    %ge3A_127 = arith.cmpi sge, %xor3A, %ge3A_126 : vector<288x128xi32>
    %convert_element_type3A_128 = arith.extui %ge3A_127 : vector<288x128xi1> to vector<288x128xi32>
    %reduce_sum3A_129 = vector.shape_cast %convert_element_type3A_128 : vector<288x128xi32> to vector<1x288x128xi32>
    %reduce_sum3A_130 = arith.constant dense<0> : vector<1xi32>
    %reduce_sum3A_131 = vector.multi_reduction <add>, %reduce_sum3A_129, %reduce_sum3A_130 [1, 2] : vector<1x288x128xi32> to vector<1xi32>
    %reduce_sum3A_132 = vector.shape_cast %reduce_sum3A_131 : vector<1xi32> to vector<1x1x1xi32>
    %reduce_sum3A_133 = vector.extract %reduce_sum3A_132[0, 0, 0] : i32 from vector<1x1x1xi32>
    %ge3A_134 = arith.constant 6000 : i32
    %ge3A_135 = arith.cmpi sge, %reduce_sum3A_133, %ge3A_134 : i32
    %select_n3A_136 = arith.select %ge3A_135, %or3A_123, %select_n3A_121 : i32
    %or3A_137 = arith.constant 4194304 : i32
    %or3A_138 = arith.ori %select_n3A_136, %or3A_137 : i32
    %xor3A_139 = arith.constant -2147483648 : i32
    %xor3A_140 = arith.xori %or3A_138, %xor3A_139 : i32
    %ge3A_141 = vector.broadcast %xor3A_140 : i32 to vector<288x128xi32>
    %ge3A_142 = arith.cmpi sge, %xor3A, %ge3A_141 : vector<288x128xi32>
    %convert_element_type3A_143 = arith.extui %ge3A_142 : vector<288x128xi1> to vector<288x128xi32>
    %reduce_sum3A_144 = vector.shape_cast %convert_element_type3A_143 : vector<288x128xi32> to vector<1x288x128xi32>
    %reduce_sum3A_145 = arith.constant dense<0> : vector<1xi32>
    %reduce_sum3A_146 = vector.multi_reduction <add>, %reduce_sum3A_144, %reduce_sum3A_145 [1, 2] : vector<1x288x128xi32> to vector<1xi32>
    %reduce_sum3A_147 = vector.shape_cast %reduce_sum3A_146 : vector<1xi32> to vector<1x1x1xi32>
    %reduce_sum3A_148 = vector.extract %reduce_sum3A_147[0, 0, 0] : i32 from vector<1x1x1xi32>
    %ge3A_149 = arith.constant 6000 : i32
    %ge3A_150 = arith.cmpi sge, %reduce_sum3A_148, %ge3A_149 : i32
    %select_n3A_151 = arith.select %ge3A_150, %or3A_138, %select_n3A_136 : i32
    %or3A_152 = arith.constant 2097152 : i32
    %or3A_153 = arith.ori %select_n3A_151, %or3A_152 : i32
    %xor3A_154 = arith.constant -2147483648 : i32
    %xor3A_155 = arith.xori %or3A_153, %xor3A_154 : i32
    %ge3A_156 = vector.broadcast %xor3A_155 : i32 to vector<288x128xi32>
    %ge3A_157 = arith.cmpi sge, %xor3A, %ge3A_156 : vector<288x128xi32>
    %convert_element_type3A_158 = arith.extui %ge3A_157 : vector<288x128xi1> to vector<288x128xi32>
    %reduce_sum3A_159 = vector.shape_cast %convert_element_type3A_158 : vector<288x128xi32> to vector<1x288x128xi32>
    %reduce_sum3A_160 = arith.constant dense<0> : vector<1xi32>
    %reduce_sum3A_161 = vector.multi_reduction <add>, %reduce_sum3A_159, %reduce_sum3A_160 [1, 2] : vector<1x288x128xi32> to vector<1xi32>
    %reduce_sum3A_162 = vector.shape_cast %reduce_sum3A_161 : vector<1xi32> to vector<1x1x1xi32>
    %reduce_sum3A_163 = vector.extract %reduce_sum3A_162[0, 0, 0] : i32 from vector<1x1x1xi32>
    %ge3A_164 = arith.constant 6000 : i32
    %ge3A_165 = arith.cmpi sge, %reduce_sum3A_163, %ge3A_164 : i32
    %select_n3A_166 = arith.select %ge3A_165, %or3A_153, %select_n3A_151 : i32
    %or3A_167 = arith.constant 1048576 : i32
    %or3A_168 = arith.ori %select_n3A_166, %or3A_167 : i32
    %xor3A_169 = arith.constant -2147483648 : i32
    %xor3A_170 = arith.xori %or3A_168, %xor3A_169 : i32
    %ge3A_171 = vector.broadcast %xor3A_170 : i32 to vector<288x128xi32>
    %ge3A_172 = arith.cmpi sge, %xor3A, %ge3A_171 : vector<288x128xi32>
    %convert_element_type3A_173 = arith.extui %ge3A_172 : vector<288x128xi1> to vector<288x128xi32>
    %reduce_sum3A_174 = vector.shape_cast %convert_element_type3A_173 : vector<288x128xi32> to vector<1x288x128xi32>
    %reduce_sum3A_175 = arith.constant dense<0> : vector<1xi32>
    %reduce_sum3A_176 = vector.multi_reduction <add>, %reduce_sum3A_174, %reduce_sum3A_175 [1, 2] : vector<1x288x128xi32> to vector<1xi32>
    %reduce_sum3A_177 = vector.shape_cast %reduce_sum3A_176 : vector<1xi32> to vector<1x1x1xi32>
    %reduce_sum3A_178 = vector.extract %reduce_sum3A_177[0, 0, 0] : i32 from vector<1x1x1xi32>
    %ge3A_179 = arith.constant 6000 : i32
    %ge3A_180 = arith.cmpi sge, %reduce_sum3A_178, %ge3A_179 : i32
    %select_n3A_181 = arith.select %ge3A_180, %or3A_168, %select_n3A_166 : i32
    %or3A_182 = arith.constant 524288 : i32
    %or3A_183 = arith.ori %select_n3A_181, %or3A_182 : i32
    %xor3A_184 = arith.constant -2147483648 : i32
    %xor3A_185 = arith.xori %or3A_183, %xor3A_184 : i32
    %ge3A_186 = vector.broadcast %xor3A_185 : i32 to vector<288x128xi32>
    %ge3A_187 = arith.cmpi sge, %xor3A, %ge3A_186 : vector<288x128xi32>
    %convert_element_type3A_188 = arith.extui %ge3A_187 : vector<288x128xi1> to vector<288x128xi32>
    %reduce_sum3A_189 = vector.shape_cast %convert_element_type3A_188 : vector<288x128xi32> to vector<1x288x128xi32>
    %reduce_sum3A_190 = arith.constant dense<0> : vector<1xi32>
    %reduce_sum3A_191 = vector.multi_reduction <add>, %reduce_sum3A_189, %reduce_sum3A_190 [1, 2] : vector<1x288x128xi32> to vector<1xi32>
    %reduce_sum3A_192 = vector.shape_cast %reduce_sum3A_191 : vector<1xi32> to vector<1x1x1xi32>
    %reduce_sum3A_193 = vector.extract %reduce_sum3A_192[0, 0, 0] : i32 from vector<1x1x1xi32>
    %ge3A_194 = arith.constant 6000 : i32
    %ge3A_195 = arith.cmpi sge, %reduce_sum3A_193, %ge3A_194 : i32
    %select_n3A_196 = arith.select %ge3A_195, %or3A_183, %select_n3A_181 : i32
    %or3A_197 = arith.constant 262144 : i32
    %or3A_198 = arith.ori %select_n3A_196, %or3A_197 : i32
    %xor3A_199 = arith.constant -2147483648 : i32
    %xor3A_200 = arith.xori %or3A_198, %xor3A_199 : i32
    %ge3A_201 = vector.broadcast %xor3A_200 : i32 to vector<288x128xi32>
    %ge3A_202 = arith.cmpi sge, %xor3A, %ge3A_201 : vector<288x128xi32>
    %convert_element_type3A_203 = arith.extui %ge3A_202 : vector<288x128xi1> to vector<288x128xi32>
    %reduce_sum3A_204 = vector.shape_cast %convert_element_type3A_203 : vector<288x128xi32> to vector<1x288x128xi32>
    %reduce_sum3A_205 = arith.constant dense<0> : vector<1xi32>
    %reduce_sum3A_206 = vector.multi_reduction <add>, %reduce_sum3A_204, %reduce_sum3A_205 [1, 2] : vector<1x288x128xi32> to vector<1xi32>
    %reduce_sum3A_207 = vector.shape_cast %reduce_sum3A_206 : vector<1xi32> to vector<1x1x1xi32>
    %reduce_sum3A_208 = vector.extract %reduce_sum3A_207[0, 0, 0] : i32 from vector<1x1x1xi32>
    %ge3A_209 = arith.constant 6000 : i32
    %ge3A_210 = arith.cmpi sge, %reduce_sum3A_208, %ge3A_209 : i32
    %select_n3A_211 = arith.select %ge3A_210, %or3A_198, %select_n3A_196 : i32
    %or3A_212 = arith.constant 131072 : i32
    %or3A_213 = arith.ori %select_n3A_211, %or3A_212 : i32
    %xor3A_214 = arith.constant -2147483648 : i32
    %xor3A_215 = arith.xori %or3A_213, %xor3A_214 : i32
    %ge3A_216 = vector.broadcast %xor3A_215 : i32 to vector<288x128xi32>
    %ge3A_217 = arith.cmpi sge, %xor3A, %ge3A_216 : vector<288x128xi32>
    %convert_element_type3A_218 = arith.extui %ge3A_217 : vector<288x128xi1> to vector<288x128xi32>
    %reduce_sum3A_219 = vector.shape_cast %convert_element_type3A_218 : vector<288x128xi32> to vector<1x288x128xi32>
    %reduce_sum3A_220 = arith.constant dense<0> : vector<1xi32>
    %reduce_sum3A_221 = vector.multi_reduction <add>, %reduce_sum3A_219, %reduce_sum3A_220 [1, 2] : vector<1x288x128xi32> to vector<1xi32>
    %reduce_sum3A_222 = vector.shape_cast %reduce_sum3A_221 : vector<1xi32> to vector<1x1x1xi32>
    %reduce_sum3A_223 = vector.extract %reduce_sum3A_222[0, 0, 0] : i32 from vector<1x1x1xi32>
    %ge3A_224 = arith.constant 6000 : i32
    %ge3A_225 = arith.cmpi sge, %reduce_sum3A_223, %ge3A_224 : i32
    %select_n3A_226 = arith.select %ge3A_225, %or3A_213, %select_n3A_211 : i32
    %or3A_227 = arith.constant 65536 : i32
    %or3A_228 = arith.ori %select_n3A_226, %or3A_227 : i32
    %xor3A_229 = arith.constant -2147483648 : i32
    %xor3A_230 = arith.xori %or3A_228, %xor3A_229 : i32
    %ge3A_231 = vector.broadcast %xor3A_230 : i32 to vector<288x128xi32>
    %ge3A_232 = arith.cmpi sge, %xor3A, %ge3A_231 : vector<288x128xi32>
    %convert_element_type3A_233 = arith.extui %ge3A_232 : vector<288x128xi1> to vector<288x128xi32>
    %reduce_sum3A_234 = vector.shape_cast %convert_element_type3A_233 : vector<288x128xi32> to vector<1x288x128xi32>
    %reduce_sum3A_235 = arith.constant dense<0> : vector<1xi32>
    %reduce_sum3A_236 = vector.multi_reduction <add>, %reduce_sum3A_234, %reduce_sum3A_235 [1, 2] : vector<1x288x128xi32> to vector<1xi32>
    %reduce_sum3A_237 = vector.shape_cast %reduce_sum3A_236 : vector<1xi32> to vector<1x1x1xi32>
    %reduce_sum3A_238 = vector.extract %reduce_sum3A_237[0, 0, 0] : i32 from vector<1x1x1xi32>
    %ge3A_239 = arith.constant 6000 : i32
    %ge3A_240 = arith.cmpi sge, %reduce_sum3A_238, %ge3A_239 : i32
    %select_n3A_241 = arith.select %ge3A_240, %or3A_228, %select_n3A_226 : i32
    %or3A_242 = arith.constant 32768 : i32
    %or3A_243 = arith.ori %select_n3A_241, %or3A_242 : i32
    %xor3A_244 = arith.constant -2147483648 : i32
    %xor3A_245 = arith.xori %or3A_243, %xor3A_244 : i32
    %ge3A_246 = vector.broadcast %xor3A_245 : i32 to vector<288x128xi32>
    %ge3A_247 = arith.cmpi sge, %xor3A, %ge3A_246 : vector<288x128xi32>
    %convert_element_type3A_248 = arith.extui %ge3A_247 : vector<288x128xi1> to vector<288x128xi32>
    %reduce_sum3A_249 = vector.shape_cast %convert_element_type3A_248 : vector<288x128xi32> to vector<1x288x128xi32>
    %reduce_sum3A_250 = arith.constant dense<0> : vector<1xi32>
    %reduce_sum3A_251 = vector.multi_reduction <add>, %reduce_sum3A_249, %reduce_sum3A_250 [1, 2] : vector<1x288x128xi32> to vector<1xi32>
    %reduce_sum3A_252 = vector.shape_cast %reduce_sum3A_251 : vector<1xi32> to vector<1x1x1xi32>
    %reduce_sum3A_253 = vector.extract %reduce_sum3A_252[0, 0, 0] : i32 from vector<1x1x1xi32>
    %ge3A_254 = arith.constant 6000 : i32
    %ge3A_255 = arith.cmpi sge, %reduce_sum3A_253, %ge3A_254 : i32
    %select_n3A_256 = arith.select %ge3A_255, %or3A_243, %select_n3A_241 : i32
    %or3A_257 = arith.constant 16384 : i32
    %or3A_258 = arith.ori %select_n3A_256, %or3A_257 : i32
    %xor3A_259 = arith.constant -2147483648 : i32
    %xor3A_260 = arith.xori %or3A_258, %xor3A_259 : i32
    %ge3A_261 = vector.broadcast %xor3A_260 : i32 to vector<288x128xi32>
    %ge3A_262 = arith.cmpi sge, %xor3A, %ge3A_261 : vector<288x128xi32>
    %convert_element_type3A_263 = arith.extui %ge3A_262 : vector<288x128xi1> to vector<288x128xi32>
    %reduce_sum3A_264 = vector.shape_cast %convert_element_type3A_263 : vector<288x128xi32> to vector<1x288x128xi32>
    %reduce_sum3A_265 = arith.constant dense<0> : vector<1xi32>
    %reduce_sum3A_266 = vector.multi_reduction <add>, %reduce_sum3A_264, %reduce_sum3A_265 [1, 2] : vector<1x288x128xi32> to vector<1xi32>
    %reduce_sum3A_267 = vector.shape_cast %reduce_sum3A_266 : vector<1xi32> to vector<1x1x1xi32>
    %reduce_sum3A_268 = vector.extract %reduce_sum3A_267[0, 0, 0] : i32 from vector<1x1x1xi32>
    %ge3A_269 = arith.constant 6000 : i32
    %ge3A_270 = arith.cmpi sge, %reduce_sum3A_268, %ge3A_269 : i32
    %select_n3A_271 = arith.select %ge3A_270, %or3A_258, %select_n3A_256 : i32
    %or3A_272 = arith.constant 8192 : i32
    %or3A_273 = arith.ori %select_n3A_271, %or3A_272 : i32
    %xor3A_274 = arith.constant -2147483648 : i32
    %xor3A_275 = arith.xori %or3A_273, %xor3A_274 : i32
    %ge3A_276 = vector.broadcast %xor3A_275 : i32 to vector<288x128xi32>
    %ge3A_277 = arith.cmpi sge, %xor3A, %ge3A_276 : vector<288x128xi32>
    %convert_element_type3A_278 = arith.extui %ge3A_277 : vector<288x128xi1> to vector<288x128xi32>
    %reduce_sum3A_279 = vector.shape_cast %convert_element_type3A_278 : vector<288x128xi32> to vector<1x288x128xi32>
    %reduce_sum3A_280 = arith.constant dense<0> : vector<1xi32>
    %reduce_sum3A_281 = vector.multi_reduction <add>, %reduce_sum3A_279, %reduce_sum3A_280 [1, 2] : vector<1x288x128xi32> to vector<1xi32>
    %reduce_sum3A_282 = vector.shape_cast %reduce_sum3A_281 : vector<1xi32> to vector<1x1x1xi32>
    %reduce_sum3A_283 = vector.extract %reduce_sum3A_282[0, 0, 0] : i32 from vector<1x1x1xi32>
    %ge3A_284 = arith.constant 6000 : i32
    %ge3A_285 = arith.cmpi sge, %reduce_sum3A_283, %ge3A_284 : i32
    %select_n3A_286 = arith.select %ge3A_285, %or3A_273, %select_n3A_271 : i32
    %or3A_287 = arith.constant 4096 : i32
    %or3A_288 = arith.ori %select_n3A_286, %or3A_287 : i32
    %xor3A_289 = arith.constant -2147483648 : i32
    %xor3A_290 = arith.xori %or3A_288, %xor3A_289 : i32
    %ge3A_291 = vector.broadcast %xor3A_290 : i32 to vector<288x128xi32>
    %ge3A_292 = arith.cmpi sge, %xor3A, %ge3A_291 : vector<288x128xi32>
    %convert_element_type3A_293 = arith.extui %ge3A_292 : vector<288x128xi1> to vector<288x128xi32>
    %reduce_sum3A_294 = vector.shape_cast %convert_element_type3A_293 : vector<288x128xi32> to vector<1x288x128xi32>
    %reduce_sum3A_295 = arith.constant dense<0> : vector<1xi32>
    %reduce_sum3A_296 = vector.multi_reduction <add>, %reduce_sum3A_294, %reduce_sum3A_295 [1, 2] : vector<1x288x128xi32> to vector<1xi32>
    %reduce_sum3A_297 = vector.shape_cast %reduce_sum3A_296 : vector<1xi32> to vector<1x1x1xi32>
    %reduce_sum3A_298 = vector.extract %reduce_sum3A_297[0, 0, 0] : i32 from vector<1x1x1xi32>
    %ge3A_299 = arith.constant 6000 : i32
    %ge3A_300 = arith.cmpi sge, %reduce_sum3A_298, %ge3A_299 : i32
    %select_n3A_301 = arith.select %ge3A_300, %or3A_288, %select_n3A_286 : i32
    %or3A_302 = arith.constant 2048 : i32
    %or3A_303 = arith.ori %select_n3A_301, %or3A_302 : i32
    %xor3A_304 = arith.constant -2147483648 : i32
    %xor3A_305 = arith.xori %or3A_303, %xor3A_304 : i32
    %ge3A_306 = vector.broadcast %xor3A_305 : i32 to vector<288x128xi32>
    %ge3A_307 = arith.cmpi sge, %xor3A, %ge3A_306 : vector<288x128xi32>
    %convert_element_type3A_308 = arith.extui %ge3A_307 : vector<288x128xi1> to vector<288x128xi32>
    %reduce_sum3A_309 = vector.shape_cast %convert_element_type3A_308 : vector<288x128xi32> to vector<1x288x128xi32>
    %reduce_sum3A_310 = arith.constant dense<0> : vector<1xi32>
    %reduce_sum3A_311 = vector.multi_reduction <add>, %reduce_sum3A_309, %reduce_sum3A_310 [1, 2] : vector<1x288x128xi32> to vector<1xi32>
    %reduce_sum3A_312 = vector.shape_cast %reduce_sum3A_311 : vector<1xi32> to vector<1x1x1xi32>
    %reduce_sum3A_313 = vector.extract %reduce_sum3A_312[0, 0, 0] : i32 from vector<1x1x1xi32>
    %ge3A_314 = arith.constant 6000 : i32
    %ge3A_315 = arith.cmpi sge, %reduce_sum3A_313, %ge3A_314 : i32
    %select_n3A_316 = arith.select %ge3A_315, %or3A_303, %select_n3A_301 : i32
    %or3A_317 = arith.constant 1024 : i32
    %or3A_318 = arith.ori %select_n3A_316, %or3A_317 : i32
    %xor3A_319 = arith.constant -2147483648 : i32
    %xor3A_320 = arith.xori %or3A_318, %xor3A_319 : i32
    %ge3A_321 = vector.broadcast %xor3A_320 : i32 to vector<288x128xi32>
    %ge3A_322 = arith.cmpi sge, %xor3A, %ge3A_321 : vector<288x128xi32>
    %convert_element_type3A_323 = arith.extui %ge3A_322 : vector<288x128xi1> to vector<288x128xi32>
    %reduce_sum3A_324 = vector.shape_cast %convert_element_type3A_323 : vector<288x128xi32> to vector<1x288x128xi32>
    %reduce_sum3A_325 = arith.constant dense<0> : vector<1xi32>
    %reduce_sum3A_326 = vector.multi_reduction <add>, %reduce_sum3A_324, %reduce_sum3A_325 [1, 2] : vector<1x288x128xi32> to vector<1xi32>
    %reduce_sum3A_327 = vector.shape_cast %reduce_sum3A_326 : vector<1xi32> to vector<1x1x1xi32>
    %reduce_sum3A_328 = vector.extract %reduce_sum3A_327[0, 0, 0] : i32 from vector<1x1x1xi32>
    %ge3A_329 = arith.constant 6000 : i32
    %ge3A_330 = arith.cmpi sge, %reduce_sum3A_328, %ge3A_329 : i32
    %select_n3A_331 = arith.select %ge3A_330, %or3A_318, %select_n3A_316 : i32
    %or3A_332 = arith.constant 512 : i32
    %or3A_333 = arith.ori %select_n3A_331, %or3A_332 : i32
    %xor3A_334 = arith.constant -2147483648 : i32
    %xor3A_335 = arith.xori %or3A_333, %xor3A_334 : i32
    %ge3A_336 = vector.broadcast %xor3A_335 : i32 to vector<288x128xi32>
    %ge3A_337 = arith.cmpi sge, %xor3A, %ge3A_336 : vector<288x128xi32>
    %convert_element_type3A_338 = arith.extui %ge3A_337 : vector<288x128xi1> to vector<288x128xi32>
    %reduce_sum3A_339 = vector.shape_cast %convert_element_type3A_338 : vector<288x128xi32> to vector<1x288x128xi32>
    %reduce_sum3A_340 = arith.constant dense<0> : vector<1xi32>
    %reduce_sum3A_341 = vector.multi_reduction <add>, %reduce_sum3A_339, %reduce_sum3A_340 [1, 2] : vector<1x288x128xi32> to vector<1xi32>
    %reduce_sum3A_342 = vector.shape_cast %reduce_sum3A_341 : vector<1xi32> to vector<1x1x1xi32>
    %reduce_sum3A_343 = vector.extract %reduce_sum3A_342[0, 0, 0] : i32 from vector<1x1x1xi32>
    %ge3A_344 = arith.constant 6000 : i32
    %ge3A_345 = arith.cmpi sge, %reduce_sum3A_343, %ge3A_344 : i32
    %select_n3A_346 = arith.select %ge3A_345, %or3A_333, %select_n3A_331 : i32
    %or3A_347 = arith.constant 256 : i32
    %or3A_348 = arith.ori %select_n3A_346, %or3A_347 : i32
    %xor3A_349 = arith.constant -2147483648 : i32
    %xor3A_350 = arith.xori %or3A_348, %xor3A_349 : i32
    %ge3A_351 = vector.broadcast %xor3A_350 : i32 to vector<288x128xi32>
    %ge3A_352 = arith.cmpi sge, %xor3A, %ge3A_351 : vector<288x128xi32>
    %convert_element_type3A_353 = arith.extui %ge3A_352 : vector<288x128xi1> to vector<288x128xi32>
    %reduce_sum3A_354 = vector.shape_cast %convert_element_type3A_353 : vector<288x128xi32> to vector<1x288x128xi32>
    %reduce_sum3A_355 = arith.constant dense<0> : vector<1xi32>
    %reduce_sum3A_356 = vector.multi_reduction <add>, %reduce_sum3A_354, %reduce_sum3A_355 [1, 2] : vector<1x288x128xi32> to vector<1xi32>
    %reduce_sum3A_357 = vector.shape_cast %reduce_sum3A_356 : vector<1xi32> to vector<1x1x1xi32>
    %reduce_sum3A_358 = vector.extract %reduce_sum3A_357[0, 0, 0] : i32 from vector<1x1x1xi32>
    %ge3A_359 = arith.constant 6000 : i32
    %ge3A_360 = arith.cmpi sge, %reduce_sum3A_358, %ge3A_359 : i32
    %select_n3A_361 = arith.select %ge3A_360, %or3A_348, %select_n3A_346 : i32
    %or3A_362 = arith.constant 128 : i32
    %or3A_363 = arith.ori %select_n3A_361, %or3A_362 : i32
    %xor3A_364 = arith.constant -2147483648 : i32
    %xor3A_365 = arith.xori %or3A_363, %xor3A_364 : i32
    %ge3A_366 = vector.broadcast %xor3A_365 : i32 to vector<288x128xi32>
    %ge3A_367 = arith.cmpi sge, %xor3A, %ge3A_366 : vector<288x128xi32>
    %convert_element_type3A_368 = arith.extui %ge3A_367 : vector<288x128xi1> to vector<288x128xi32>
    %reduce_sum3A_369 = vector.shape_cast %convert_element_type3A_368 : vector<288x128xi32> to vector<1x288x128xi32>
    %reduce_sum3A_370 = arith.constant dense<0> : vector<1xi32>
    %reduce_sum3A_371 = vector.multi_reduction <add>, %reduce_sum3A_369, %reduce_sum3A_370 [1, 2] : vector<1x288x128xi32> to vector<1xi32>
    %reduce_sum3A_372 = vector.shape_cast %reduce_sum3A_371 : vector<1xi32> to vector<1x1x1xi32>
    %reduce_sum3A_373 = vector.extract %reduce_sum3A_372[0, 0, 0] : i32 from vector<1x1x1xi32>
    %ge3A_374 = arith.constant 6000 : i32
    %ge3A_375 = arith.cmpi sge, %reduce_sum3A_373, %ge3A_374 : i32
    %select_n3A_376 = arith.select %ge3A_375, %or3A_363, %select_n3A_361 : i32
    %or3A_377 = arith.constant 64 : i32
    %or3A_378 = arith.ori %select_n3A_376, %or3A_377 : i32
    %xor3A_379 = arith.constant -2147483648 : i32
    %xor3A_380 = arith.xori %or3A_378, %xor3A_379 : i32
    %ge3A_381 = vector.broadcast %xor3A_380 : i32 to vector<288x128xi32>
    %ge3A_382 = arith.cmpi sge, %xor3A, %ge3A_381 : vector<288x128xi32>
    %convert_element_type3A_383 = arith.extui %ge3A_382 : vector<288x128xi1> to vector<288x128xi32>
    %reduce_sum3A_384 = vector.shape_cast %convert_element_type3A_383 : vector<288x128xi32> to vector<1x288x128xi32>
    %reduce_sum3A_385 = arith.constant dense<0> : vector<1xi32>
    %reduce_sum3A_386 = vector.multi_reduction <add>, %reduce_sum3A_384, %reduce_sum3A_385 [1, 2] : vector<1x288x128xi32> to vector<1xi32>
    %reduce_sum3A_387 = vector.shape_cast %reduce_sum3A_386 : vector<1xi32> to vector<1x1x1xi32>
    %reduce_sum3A_388 = vector.extract %reduce_sum3A_387[0, 0, 0] : i32 from vector<1x1x1xi32>
    %ge3A_389 = arith.constant 6000 : i32
    %ge3A_390 = arith.cmpi sge, %reduce_sum3A_388, %ge3A_389 : i32
    %select_n3A_391 = arith.select %ge3A_390, %or3A_378, %select_n3A_376 : i32
    %or3A_392 = arith.constant 32 : i32
    %or3A_393 = arith.ori %select_n3A_391, %or3A_392 : i32
    %xor3A_394 = arith.constant -2147483648 : i32
    %xor3A_395 = arith.xori %or3A_393, %xor3A_394 : i32
    %ge3A_396 = vector.broadcast %xor3A_395 : i32 to vector<288x128xi32>
    %ge3A_397 = arith.cmpi sge, %xor3A, %ge3A_396 : vector<288x128xi32>
    %convert_element_type3A_398 = arith.extui %ge3A_397 : vector<288x128xi1> to vector<288x128xi32>
    %reduce_sum3A_399 = vector.shape_cast %convert_element_type3A_398 : vector<288x128xi32> to vector<1x288x128xi32>
    %reduce_sum3A_400 = arith.constant dense<0> : vector<1xi32>
    %reduce_sum3A_401 = vector.multi_reduction <add>, %reduce_sum3A_399, %reduce_sum3A_400 [1, 2] : vector<1x288x128xi32> to vector<1xi32>
    %reduce_sum3A_402 = vector.shape_cast %reduce_sum3A_401 : vector<1xi32> to vector<1x1x1xi32>
    %reduce_sum3A_403 = vector.extract %reduce_sum3A_402[0, 0, 0] : i32 from vector<1x1x1xi32>
    %ge3A_404 = arith.constant 6000 : i32
    %ge3A_405 = arith.cmpi sge, %reduce_sum3A_403, %ge3A_404 : i32
    %select_n3A_406 = arith.select %ge3A_405, %or3A_393, %select_n3A_391 : i32
    %or3A_407 = arith.constant 16 : i32
    %or3A_408 = arith.ori %select_n3A_406, %or3A_407 : i32
    %xor3A_409 = arith.constant -2147483648 : i32
    %xor3A_410 = arith.xori %or3A_408, %xor3A_409 : i32
    %ge3A_411 = vector.broadcast %xor3A_410 : i32 to vector<288x128xi32>
    %ge3A_412 = arith.cmpi sge, %xor3A, %ge3A_411 : vector<288x128xi32>
    %convert_element_type3A_413 = arith.extui %ge3A_412 : vector<288x128xi1> to vector<288x128xi32>
    %reduce_sum3A_414 = vector.shape_cast %convert_element_type3A_413 : vector<288x128xi32> to vector<1x288x128xi32>
    %reduce_sum3A_415 = arith.constant dense<0> : vector<1xi32>
    %reduce_sum3A_416 = vector.multi_reduction <add>, %reduce_sum3A_414, %reduce_sum3A_415 [1, 2] : vector<1x288x128xi32> to vector<1xi32>
    %reduce_sum3A_417 = vector.shape_cast %reduce_sum3A_416 : vector<1xi32> to vector<1x1x1xi32>
    %reduce_sum3A_418 = vector.extract %reduce_sum3A_417[0, 0, 0] : i32 from vector<1x1x1xi32>
    %ge3A_419 = arith.constant 6000 : i32
    %ge3A_420 = arith.cmpi sge, %reduce_sum3A_418, %ge3A_419 : i32
    %select_n3A_421 = arith.select %ge3A_420, %or3A_408, %select_n3A_406 : i32
    %or3A_422 = arith.constant 8 : i32
    %or3A_423 = arith.ori %select_n3A_421, %or3A_422 : i32
    %xor3A_424 = arith.constant -2147483648 : i32
    %xor3A_425 = arith.xori %or3A_423, %xor3A_424 : i32
    %ge3A_426 = vector.broadcast %xor3A_425 : i32 to vector<288x128xi32>
    %ge3A_427 = arith.cmpi sge, %xor3A, %ge3A_426 : vector<288x128xi32>
    %convert_element_type3A_428 = arith.extui %ge3A_427 : vector<288x128xi1> to vector<288x128xi32>
    %reduce_sum3A_429 = vector.shape_cast %convert_element_type3A_428 : vector<288x128xi32> to vector<1x288x128xi32>
    %reduce_sum3A_430 = arith.constant dense<0> : vector<1xi32>
    %reduce_sum3A_431 = vector.multi_reduction <add>, %reduce_sum3A_429, %reduce_sum3A_430 [1, 2] : vector<1x288x128xi32> to vector<1xi32>
    %reduce_sum3A_432 = vector.shape_cast %reduce_sum3A_431 : vector<1xi32> to vector<1x1x1xi32>
    %reduce_sum3A_433 = vector.extract %reduce_sum3A_432[0, 0, 0] : i32 from vector<1x1x1xi32>
    %ge3A_434 = arith.constant 6000 : i32
    %ge3A_435 = arith.cmpi sge, %reduce_sum3A_433, %ge3A_434 : i32
    %select_n3A_436 = arith.select %ge3A_435, %or3A_423, %select_n3A_421 : i32
    %or3A_437 = arith.constant 4 : i32
    %or3A_438 = arith.ori %select_n3A_436, %or3A_437 : i32
    %xor3A_439 = arith.constant -2147483648 : i32
    %xor3A_440 = arith.xori %or3A_438, %xor3A_439 : i32
    %ge3A_441 = vector.broadcast %xor3A_440 : i32 to vector<288x128xi32>
    %ge3A_442 = arith.cmpi sge, %xor3A, %ge3A_441 : vector<288x128xi32>
    %convert_element_type3A_443 = arith.extui %ge3A_442 : vector<288x128xi1> to vector<288x128xi32>
    %reduce_sum3A_444 = vector.shape_cast %convert_element_type3A_443 : vector<288x128xi32> to vector<1x288x128xi32>
    %reduce_sum3A_445 = arith.constant dense<0> : vector<1xi32>
    %reduce_sum3A_446 = vector.multi_reduction <add>, %reduce_sum3A_444, %reduce_sum3A_445 [1, 2] : vector<1x288x128xi32> to vector<1xi32>
    %reduce_sum3A_447 = vector.shape_cast %reduce_sum3A_446 : vector<1xi32> to vector<1x1x1xi32>
    %reduce_sum3A_448 = vector.extract %reduce_sum3A_447[0, 0, 0] : i32 from vector<1x1x1xi32>
    %ge3A_449 = arith.constant 6000 : i32
    %ge3A_450 = arith.cmpi sge, %reduce_sum3A_448, %ge3A_449 : i32
    %select_n3A_451 = arith.select %ge3A_450, %or3A_438, %select_n3A_436 : i32
    %or3A_452 = arith.constant 2 : i32
    %or3A_453 = arith.ori %select_n3A_451, %or3A_452 : i32
    %xor3A_454 = arith.constant -2147483648 : i32
    %xor3A_455 = arith.xori %or3A_453, %xor3A_454 : i32
    %ge3A_456 = vector.broadcast %xor3A_455 : i32 to vector<288x128xi32>
    %ge3A_457 = arith.cmpi sge, %xor3A, %ge3A_456 : vector<288x128xi32>
    %convert_element_type3A_458 = arith.extui %ge3A_457 : vector<288x128xi1> to vector<288x128xi32>
    %reduce_sum3A_459 = vector.shape_cast %convert_element_type3A_458 : vector<288x128xi32> to vector<1x288x128xi32>
    %reduce_sum3A_460 = arith.constant dense<0> : vector<1xi32>
    %reduce_sum3A_461 = vector.multi_reduction <add>, %reduce_sum3A_459, %reduce_sum3A_460 [1, 2] : vector<1x288x128xi32> to vector<1xi32>
    %reduce_sum3A_462 = vector.shape_cast %reduce_sum3A_461 : vector<1xi32> to vector<1x1x1xi32>
    %reduce_sum3A_463 = vector.extract %reduce_sum3A_462[0, 0, 0] : i32 from vector<1x1x1xi32>
    %ge3A_464 = arith.constant 6000 : i32
    %ge3A_465 = arith.cmpi sge, %reduce_sum3A_463, %ge3A_464 : i32
    %select_n3A_466 = arith.select %ge3A_465, %or3A_453, %select_n3A_451 : i32
    %or3A_467 = arith.constant 1 : i32
    %or3A_468 = arith.ori %select_n3A_466, %or3A_467 : i32
    %xor3A_469 = arith.constant -2147483648 : i32
    %xor3A_470 = arith.xori %or3A_468, %xor3A_469 : i32
    %ge3A_471 = vector.broadcast %xor3A_470 : i32 to vector<288x128xi32>
    %ge3A_472 = arith.cmpi sge, %xor3A, %ge3A_471 : vector<288x128xi32>
    %convert_element_type3A_473 = arith.extui %ge3A_472 : vector<288x128xi1> to vector<288x128xi32>
    %reduce_sum3A_474 = vector.shape_cast %convert_element_type3A_473 : vector<288x128xi32> to vector<1x288x128xi32>
    %reduce_sum3A_475 = arith.constant dense<0> : vector<1xi32>
    %reduce_sum3A_476 = vector.multi_reduction <add>, %reduce_sum3A_474, %reduce_sum3A_475 [1, 2] : vector<1x288x128xi32> to vector<1xi32>
    %reduce_sum3A_477 = vector.shape_cast %reduce_sum3A_476 : vector<1xi32> to vector<1x1x1xi32>
    %reduce_sum3A_478 = vector.extract %reduce_sum3A_477[0, 0, 0] : i32 from vector<1x1x1xi32>
    %ge3A_479 = arith.constant 6000 : i32
    %ge3A_480 = arith.cmpi sge, %reduce_sum3A_478, %ge3A_479 : i32
    %select_n3A_481 = arith.select %ge3A_480, %or3A_468, %select_n3A_466 : i32
    %xor3A_482 = arith.constant -2147483648 : i32
    %xor3A_483 = arith.xori %select_n3A_481, %xor3A_482 : i32
    %ge3A_484 = vector.broadcast %xor3A_483 : i32 to vector<288x128xi32>
    %ge3A_485 = arith.cmpi sge, %xor3A, %ge3A_484 : vector<288x128xi32>
    %jit3A_486 = arith.constant 0xFF800000 : f32
    %broadcast_in_dim3A = vector.broadcast %jit3A_486 : f32 to vector<288x128xf32>
    %select_n3A_487 = arith.select %ge3A_485, %get3A_1, %broadcast_in_dim3A : vector<288x128xi1>, vector<288x128xf32>
    %swap3A = arith.constant 0 : index
    %swap3A_488 = arith.constant 0 : index
    %swap3A_489 = vector.load %arg1[%swap3A, %swap3A_488] : memref<288x128xf32, #tpu.memory_space<vmem>>, vector<288x128xf32>
    tpu.vector_store %arg1[%swap3A, %swap3A_488], %select_n3A_487 {strides = array<i32>} : memref<288x128xf32, #tpu.memory_space<vmem>>, vector<288x128xf32>,
    %convert_element_type3A_490 = arith.extui %ge3A_485 : vector<288x128xi1> to vector<288x128xi32>
    %iota3A = tpu.iota {dimensions = array<i32: 0>} : vector<288x128xi32>
    %iota3A_491 = tpu.iota {dimensions = array<i32: 1>} : vector<1x32xi32>
    %broadcast_in_dim3A_492 = arith.constant 0 : i32
    %broadcast_in_dim3A_493 = vector.broadcast %broadcast_in_dim3A_492 : i32 to vector<1x32xi32>
    %lt3A = arith.constant 0 : i32
    %lt3A_494 = vector.broadcast %lt3A : i32 to vector<288x128xi32>
    %lt3A_495 = arith.cmpi slt, %iota3A, %lt3A_494 : vector<288x128xi32>
    %jit3A_496 = arith.constant 0 : i32
    %broadcast_in_dim3A_497 = vector.broadcast %jit3A_496 : i32 to vector<288x128xi32>
    %select_n3A_498 = arith.select %lt3A_495, %convert_element_type3A_490, %broadcast_in_dim3A_497 : vector<288x128xi1>, vector<288x128xi32>
    %reduce_sum3A_499 = vector.shape_cast %select_n3A_498 : vector<288x128xi32> to vector<1x288x128xi32>
    %reduce_sum3A_500 = arith.constant dense<0> : vector<1xi32>
    %reduce_sum3A_501 = vector.multi_reduction <add>, %reduce_sum3A_499, %reduce_sum3A_500 [1, 2] : vector<1x288x128xi32> to vector<1xi32>
    %reduce_sum3A_502 = vector.shape_cast %reduce_sum3A_501 : vector<1xi32> to vector<1x1x1xi32>
    %reduce_sum3A_503 = vector.extract %reduce_sum3A_502[0, 0, 0] : i32 from vector<1x1x1xi32>
    %eq3A = arith.constant 0 : i32
    %eq3A_504 = vector.broadcast %eq3A : i32 to vector<1x32xi32>
    %eq3A_505 = arith.cmpi eq, %iota3A_491, %eq3A_504 : vector<1x32xi32>
    %broadcast_in_dim3A_506 = vector.broadcast %reduce_sum3A_503 : i32 to vector<1x32xi32>
    %select_n3A_507 = arith.select %eq3A_505, %broadcast_in_dim3A_506, %broadcast_in_dim3A_493 : vector<1x32xi1>, vector<1x32xi32>
    %lt3A_508 = arith.constant 18 : i32
    %lt3A_509 = vector.broadcast %lt3A_508 : i32 to vector<288x128xi32>
    %lt3A_510 = arith.cmpi slt, %iota3A, %lt3A_509 : vector<288x128xi32>
    %jit3A_511 = arith.constant 0 : i32
    %broadcast_in_dim3A_512 = vector.broadcast %jit3A_511 : i32 to vector<288x128xi32>
    %select_n3A_513 = arith.select %lt3A_510, %convert_element_type3A_490, %broadcast_in_dim3A_512 : vector<288x128xi1>, vector<288x128xi32>
    %reduce_sum3A_514 = vector.shape_cast %select_n3A_513 : vector<288x128xi32> to vector<1x288x128xi32>
    %reduce_sum3A_515 = arith.constant dense<0> : vector<1xi32>
    %reduce_sum3A_516 = vector.multi_reduction <add>, %reduce_sum3A_514, %reduce_sum3A_515 [1, 2] : vector<1x288x128xi32> to vector<1xi32>
    %reduce_sum3A_517 = vector.shape_cast %reduce_sum3A_516 : vector<1xi32> to vector<1x1x1xi32>
    %reduce_sum3A_518 = vector.extract %reduce_sum3A_517[0, 0, 0] : i32 from vector<1x1x1xi32>
    %eq3A_519 = arith.constant 1 : i32
    %eq3A_520 = vector.broadcast %eq3A_519 : i32 to vector<1x32xi32>
    %eq3A_521 = arith.cmpi eq, %iota3A_491, %eq3A_520 : vector<1x32xi32>
    %broadcast_in_dim3A_522 = vector.broadcast %reduce_sum3A_518 : i32 to vector<1x32xi32>
    %select_n3A_523 = arith.select %eq3A_521, %broadcast_in_dim3A_522, %select_n3A_507 : vector<1x32xi1>, vector<1x32xi32>
    %lt3A_524 = arith.constant 36 : i32
    %lt3A_525 = vector.broadcast %lt3A_524 : i32 to vector<288x128xi32>
    %lt3A_526 = arith.cmpi slt, %iota3A, %lt3A_525 : vector<288x128xi32>
    %jit3A_527 = arith.constant 0 : i32
    %broadcast_in_dim3A_528 = vector.broadcast %jit3A_527 : i32 to vector<288x128xi32>
    %select_n3A_529 = arith.select %lt3A_526, %convert_element_type3A_490, %broadcast_in_dim3A_528 : vector<288x128xi1>, vector<288x128xi32>
    %reduce_sum3A_530 = vector.shape_cast %select_n3A_529 : vector<288x128xi32> to vector<1x288x128xi32>
    %reduce_sum3A_531 = arith.constant dense<0> : vector<1xi32>
    %reduce_sum3A_532 = vector.multi_reduction <add>, %reduce_sum3A_530, %reduce_sum3A_531 [1, 2] : vector<1x288x128xi32> to vector<1xi32>
    %reduce_sum3A_533 = vector.shape_cast %reduce_sum3A_532 : vector<1xi32> to vector<1x1x1xi32>
    %reduce_sum3A_534 = vector.extract %reduce_sum3A_533[0, 0, 0] : i32 from vector<1x1x1xi32>
    %eq3A_535 = arith.constant 2 : i32
    %eq3A_536 = vector.broadcast %eq3A_535 : i32 to vector<1x32xi32>
    %eq3A_537 = arith.cmpi eq, %iota3A_491, %eq3A_536 : vector<1x32xi32>
    %broadcast_in_dim3A_538 = vector.broadcast %reduce_sum3A_534 : i32 to vector<1x32xi32>
    %select_n3A_539 = arith.select %eq3A_537, %broadcast_in_dim3A_538, %select_n3A_523 : vector<1x32xi1>, vector<1x32xi32>
    %lt3A_540 = arith.constant 54 : i32
    %lt3A_541 = vector.broadcast %lt3A_540 : i32 to vector<288x128xi32>
    %lt3A_542 = arith.cmpi slt, %iota3A, %lt3A_541 : vector<288x128xi32>
    %jit3A_543 = arith.constant 0 : i32
    %broadcast_in_dim3A_544 = vector.broadcast %jit3A_543 : i32 to vector<288x128xi32>
    %select_n3A_545 = arith.select %lt3A_542, %convert_element_type3A_490, %broadcast_in_dim3A_544 : vector<288x128xi1>, vector<288x128xi32>
    %reduce_sum3A_546 = vector.shape_cast %select_n3A_545 : vector<288x128xi32> to vector<1x288x128xi32>
    %reduce_sum3A_547 = arith.constant dense<0> : vector<1xi32>
    %reduce_sum3A_548 = vector.multi_reduction <add>, %reduce_sum3A_546, %reduce_sum3A_547 [1, 2] : vector<1x288x128xi32> to vector<1xi32>
    %reduce_sum3A_549 = vector.shape_cast %reduce_sum3A_548 : vector<1xi32> to vector<1x1x1xi32>
    %reduce_sum3A_550 = vector.extract %reduce_sum3A_549[0, 0, 0] : i32 from vector<1x1x1xi32>
    %eq3A_551 = arith.constant 3 : i32
    %eq3A_552 = vector.broadcast %eq3A_551 : i32 to vector<1x32xi32>
    %eq3A_553 = arith.cmpi eq, %iota3A_491, %eq3A_552 : vector<1x32xi32>
    %broadcast_in_dim3A_554 = vector.broadcast %reduce_sum3A_550 : i32 to vector<1x32xi32>
    %select_n3A_555 = arith.select %eq3A_553, %broadcast_in_dim3A_554, %select_n3A_539 : vector<1x32xi1>, vector<1x32xi32>
    %lt3A_556 = arith.constant 72 : i32
    %lt3A_557 = vector.broadcast %lt3A_556 : i32 to vector<288x128xi32>
    %lt3A_558 = arith.cmpi slt, %iota3A, %lt3A_557 : vector<288x128xi32>
    %jit3A_559 = arith.constant 0 : i32
    %broadcast_in_dim3A_560 = vector.broadcast %jit3A_559 : i32 to vector<288x128xi32>
    %select_n3A_561 = arith.select %lt3A_558, %convert_element_type3A_490, %broadcast_in_dim3A_560 : vector<288x128xi1>, vector<288x128xi32>
    %reduce_sum3A_562 = vector.shape_cast %select_n3A_561 : vector<288x128xi32> to vector<1x288x128xi32>
    %reduce_sum3A_563 = arith.constant dense<0> : vector<1xi32>
    %reduce_sum3A_564 = vector.multi_reduction <add>, %reduce_sum3A_562, %reduce_sum3A_563 [1, 2] : vector<1x288x128xi32> to vector<1xi32>
    %reduce_sum3A_565 = vector.shape_cast %reduce_sum3A_564 : vector<1xi32> to vector<1x1x1xi32>
    %reduce_sum3A_566 = vector.extract %reduce_sum3A_565[0, 0, 0] : i32 from vector<1x1x1xi32>
    %eq3A_567 = arith.constant 4 : i32
    %eq3A_568 = vector.broadcast %eq3A_567 : i32 to vector<1x32xi32>
    %eq3A_569 = arith.cmpi eq, %iota3A_491, %eq3A_568 : vector<1x32xi32>
    %broadcast_in_dim3A_570 = vector.broadcast %reduce_sum3A_566 : i32 to vector<1x32xi32>
    %select_n3A_571 = arith.select %eq3A_569, %broadcast_in_dim3A_570, %select_n3A_555 : vector<1x32xi1>, vector<1x32xi32>
    %lt3A_572 = arith.constant 90 : i32
    %lt3A_573 = vector.broadcast %lt3A_572 : i32 to vector<288x128xi32>
    %lt3A_574 = arith.cmpi slt, %iota3A, %lt3A_573 : vector<288x128xi32>
    %jit3A_575 = arith.constant 0 : i32
    %broadcast_in_dim3A_576 = vector.broadcast %jit3A_575 : i32 to vector<288x128xi32>
    %select_n3A_577 = arith.select %lt3A_574, %convert_element_type3A_490, %broadcast_in_dim3A_576 : vector<288x128xi1>, vector<288x128xi32>
    %reduce_sum3A_578 = vector.shape_cast %select_n3A_577 : vector<288x128xi32> to vector<1x288x128xi32>
    %reduce_sum3A_579 = arith.constant dense<0> : vector<1xi32>
    %reduce_sum3A_580 = vector.multi_reduction <add>, %reduce_sum3A_578, %reduce_sum3A_579 [1, 2] : vector<1x288x128xi32> to vector<1xi32>
    %reduce_sum3A_581 = vector.shape_cast %reduce_sum3A_580 : vector<1xi32> to vector<1x1x1xi32>
    %reduce_sum3A_582 = vector.extract %reduce_sum3A_581[0, 0, 0] : i32 from vector<1x1x1xi32>
    %eq3A_583 = arith.constant 5 : i32
    %eq3A_584 = vector.broadcast %eq3A_583 : i32 to vector<1x32xi32>
    %eq3A_585 = arith.cmpi eq, %iota3A_491, %eq3A_584 : vector<1x32xi32>
    %broadcast_in_dim3A_586 = vector.broadcast %reduce_sum3A_582 : i32 to vector<1x32xi32>
    %select_n3A_587 = arith.select %eq3A_585, %broadcast_in_dim3A_586, %select_n3A_571 : vector<1x32xi1>, vector<1x32xi32>
    %lt3A_588 = arith.constant 108 : i32
    %lt3A_589 = vector.broadcast %lt3A_588 : i32 to vector<288x128xi32>
    %lt3A_590 = arith.cmpi slt, %iota3A, %lt3A_589 : vector<288x128xi32>
    %jit3A_591 = arith.constant 0 : i32
    %broadcast_in_dim3A_592 = vector.broadcast %jit3A_591 : i32 to vector<288x128xi32>
    %select_n3A_593 = arith.select %lt3A_590, %convert_element_type3A_490, %broadcast_in_dim3A_592 : vector<288x128xi1>, vector<288x128xi32>
    %reduce_sum3A_594 = vector.shape_cast %select_n3A_593 : vector<288x128xi32> to vector<1x288x128xi32>
    %reduce_sum3A_595 = arith.constant dense<0> : vector<1xi32>
    %reduce_sum3A_596 = vector.multi_reduction <add>, %reduce_sum3A_594, %reduce_sum3A_595 [1, 2] : vector<1x288x128xi32> to vector<1xi32>
    %reduce_sum3A_597 = vector.shape_cast %reduce_sum3A_596 : vector<1xi32> to vector<1x1x1xi32>
    %reduce_sum3A_598 = vector.extract %reduce_sum3A_597[0, 0, 0] : i32 from vector<1x1x1xi32>
    %eq3A_599 = arith.constant 6 : i32
    %eq3A_600 = vector.broadcast %eq3A_599 : i32 to vector<1x32xi32>
    %eq3A_601 = arith.cmpi eq, %iota3A_491, %eq3A_600 : vector<1x32xi32>
    %broadcast_in_dim3A_602 = vector.broadcast %reduce_sum3A_598 : i32 to vector<1x32xi32>
    %select_n3A_603 = arith.select %eq3A_601, %broadcast_in_dim3A_602, %select_n3A_587 : vector<1x32xi1>, vector<1x32xi32>
    %lt3A_604 = arith.constant 126 : i32
    %lt3A_605 = vector.broadcast %lt3A_604 : i32 to vector<288x128xi32>
    %lt3A_606 = arith.cmpi slt, %iota3A, %lt3A_605 : vector<288x128xi32>
    %jit3A_607 = arith.constant 0 : i32
    %broadcast_in_dim3A_608 = vector.broadcast %jit3A_607 : i32 to vector<288x128xi32>
    %select_n3A_609 = arith.select %lt3A_606, %convert_element_type3A_490, %broadcast_in_dim3A_608 : vector<288x128xi1>, vector<288x128xi32>
    %reduce_sum3A_610 = vector.shape_cast %select_n3A_609 : vector<288x128xi32> to vector<1x288x128xi32>
    %reduce_sum3A_611 = arith.constant dense<0> : vector<1xi32>
    %reduce_sum3A_612 = vector.multi_reduction <add>, %reduce_sum3A_610, %reduce_sum3A_611 [1, 2] : vector<1x288x128xi32> to vector<1xi32>
    %reduce_sum3A_613 = vector.shape_cast %reduce_sum3A_612 : vector<1xi32> to vector<1x1x1xi32>
    %reduce_sum3A_614 = vector.extract %reduce_sum3A_613[0, 0, 0] : i32 from vector<1x1x1xi32>
    %eq3A_615 = arith.constant 7 : i32
    %eq3A_616 = vector.broadcast %eq3A_615 : i32 to vector<1x32xi32>
    %eq3A_617 = arith.cmpi eq, %iota3A_491, %eq3A_616 : vector<1x32xi32>
    %broadcast_in_dim3A_618 = vector.broadcast %reduce_sum3A_614 : i32 to vector<1x32xi32>
    %select_n3A_619 = arith.select %eq3A_617, %broadcast_in_dim3A_618, %select_n3A_603 : vector<1x32xi1>, vector<1x32xi32>
    %lt3A_620 = arith.constant 144 : i32
    %lt3A_621 = vector.broadcast %lt3A_620 : i32 to vector<288x128xi32>
    %lt3A_622 = arith.cmpi slt, %iota3A, %lt3A_621 : vector<288x128xi32>
    %jit3A_623 = arith.constant 0 : i32
    %broadcast_in_dim3A_624 = vector.broadcast %jit3A_623 : i32 to vector<288x128xi32>
    %select_n3A_625 = arith.select %lt3A_622, %convert_element_type3A_490, %broadcast_in_dim3A_624 : vector<288x128xi1>, vector<288x128xi32>
    %reduce_sum3A_626 = vector.shape_cast %select_n3A_625 : vector<288x128xi32> to vector<1x288x128xi32>
    %reduce_sum3A_627 = arith.constant dense<0> : vector<1xi32>
    %reduce_sum3A_628 = vector.multi_reduction <add>, %reduce_sum3A_626, %reduce_sum3A_627 [1, 2] : vector<1x288x128xi32> to vector<1xi32>
    %reduce_sum3A_629 = vector.shape_cast %reduce_sum3A_628 : vector<1xi32> to vector<1x1x1xi32>
    %reduce_sum3A_630 = vector.extract %reduce_sum3A_629[0, 0, 0] : i32 from vector<1x1x1xi32>
    %eq3A_631 = arith.constant 8 : i32
    %eq3A_632 = vector.broadcast %eq3A_631 : i32 to vector<1x32xi32>
    %eq3A_633 = arith.cmpi eq, %iota3A_491, %eq3A_632 : vector<1x32xi32>
    %broadcast_in_dim3A_634 = vector.broadcast %reduce_sum3A_630 : i32 to vector<1x32xi32>
    %select_n3A_635 = arith.select %eq3A_633, %broadcast_in_dim3A_634, %select_n3A_619 : vector<1x32xi1>, vector<1x32xi32>
    %lt3A_636 = arith.constant 162 : i32
    %lt3A_637 = vector.broadcast %lt3A_636 : i32 to vector<288x128xi32>
    %lt3A_638 = arith.cmpi slt, %iota3A, %lt3A_637 : vector<288x128xi32>
    %jit3A_639 = arith.constant 0 : i32
    %broadcast_in_dim3A_640 = vector.broadcast %jit3A_639 : i32 to vector<288x128xi32>
    %select_n3A_641 = arith.select %lt3A_638, %convert_element_type3A_490, %broadcast_in_dim3A_640 : vector<288x128xi1>, vector<288x128xi32>
    %reduce_sum3A_642 = vector.shape_cast %select_n3A_641 : vector<288x128xi32> to vector<1x288x128xi32>
    %reduce_sum3A_643 = arith.constant dense<0> : vector<1xi32>
    %reduce_sum3A_644 = vector.multi_reduction <add>, %reduce_sum3A_642, %reduce_sum3A_643 [1, 2] : vector<1x288x128xi32> to vector<1xi32>
    %reduce_sum3A_645 = vector.shape_cast %reduce_sum3A_644 : vector<1xi32> to vector<1x1x1xi32>
    %reduce_sum3A_646 = vector.extract %reduce_sum3A_645[0, 0, 0] : i32 from vector<1x1x1xi32>
    %eq3A_647 = arith.constant 9 : i32
    %eq3A_648 = vector.broadcast %eq3A_647 : i32 to vector<1x32xi32>
    %eq3A_649 = arith.cmpi eq, %iota3A_491, %eq3A_648 : vector<1x32xi32>
    %broadcast_in_dim3A_650 = vector.broadcast %reduce_sum3A_646 : i32 to vector<1x32xi32>
    %select_n3A_651 = arith.select %eq3A_649, %broadcast_in_dim3A_650, %select_n3A_635 : vector<1x32xi1>, vector<1x32xi32>
    %lt3A_652 = arith.constant 180 : i32
    %lt3A_653 = vector.broadcast %lt3A_652 : i32 to vector<288x128xi32>
    %lt3A_654 = arith.cmpi slt, %iota3A, %lt3A_653 : vector<288x128xi32>
    %jit3A_655 = arith.constant 0 : i32
    %broadcast_in_dim3A_656 = vector.broadcast %jit3A_655 : i32 to vector<288x128xi32>
    %select_n3A_657 = arith.select %lt3A_654, %convert_element_type3A_490, %broadcast_in_dim3A_656 : vector<288x128xi1>, vector<288x128xi32>
    %reduce_sum3A_658 = vector.shape_cast %select_n3A_657 : vector<288x128xi32> to vector<1x288x128xi32>
    %reduce_sum3A_659 = arith.constant dense<0> : vector<1xi32>
    %reduce_sum3A_660 = vector.multi_reduction <add>, %reduce_sum3A_658, %reduce_sum3A_659 [1, 2] : vector<1x288x128xi32> to vector<1xi32>
    %reduce_sum3A_661 = vector.shape_cast %reduce_sum3A_660 : vector<1xi32> to vector<1x1x1xi32>
    %reduce_sum3A_662 = vector.extract %reduce_sum3A_661[0, 0, 0] : i32 from vector<1x1x1xi32>
    %eq3A_663 = arith.constant 10 : i32
    %eq3A_664 = vector.broadcast %eq3A_663 : i32 to vector<1x32xi32>
    %eq3A_665 = arith.cmpi eq, %iota3A_491, %eq3A_664 : vector<1x32xi32>
    %broadcast_in_dim3A_666 = vector.broadcast %reduce_sum3A_662 : i32 to vector<1x32xi32>
    %select_n3A_667 = arith.select %eq3A_665, %broadcast_in_dim3A_666, %select_n3A_651 : vector<1x32xi1>, vector<1x32xi32>
    %lt3A_668 = arith.constant 198 : i32
    %lt3A_669 = vector.broadcast %lt3A_668 : i32 to vector<288x128xi32>
    %lt3A_670 = arith.cmpi slt, %iota3A, %lt3A_669 : vector<288x128xi32>
    %jit3A_671 = arith.constant 0 : i32
    %broadcast_in_dim3A_672 = vector.broadcast %jit3A_671 : i32 to vector<288x128xi32>
    %select_n3A_673 = arith.select %lt3A_670, %convert_element_type3A_490, %broadcast_in_dim3A_672 : vector<288x128xi1>, vector<288x128xi32>
    %reduce_sum3A_674 = vector.shape_cast %select_n3A_673 : vector<288x128xi32> to vector<1x288x128xi32>
    %reduce_sum3A_675 = arith.constant dense<0> : vector<1xi32>
    %reduce_sum3A_676 = vector.multi_reduction <add>, %reduce_sum3A_674, %reduce_sum3A_675 [1, 2] : vector<1x288x128xi32> to vector<1xi32>
    %reduce_sum3A_677 = vector.shape_cast %reduce_sum3A_676 : vector<1xi32> to vector<1x1x1xi32>
    %reduce_sum3A_678 = vector.extract %reduce_sum3A_677[0, 0, 0] : i32 from vector<1x1x1xi32>
    %eq3A_679 = arith.constant 11 : i32
    %eq3A_680 = vector.broadcast %eq3A_679 : i32 to vector<1x32xi32>
    %eq3A_681 = arith.cmpi eq, %iota3A_491, %eq3A_680 : vector<1x32xi32>
    %broadcast_in_dim3A_682 = vector.broadcast %reduce_sum3A_678 : i32 to vector<1x32xi32>
    %select_n3A_683 = arith.select %eq3A_681, %broadcast_in_dim3A_682, %select_n3A_667 : vector<1x32xi1>, vector<1x32xi32>
    %lt3A_684 = arith.constant 216 : i32
    %lt3A_685 = vector.broadcast %lt3A_684 : i32 to vector<288x128xi32>
    %lt3A_686 = arith.cmpi slt, %iota3A, %lt3A_685 : vector<288x128xi32>
    %jit3A_687 = arith.constant 0 : i32
    %broadcast_in_dim3A_688 = vector.broadcast %jit3A_687 : i32 to vector<288x128xi32>
    %select_n3A_689 = arith.select %lt3A_686, %convert_element_type3A_490, %broadcast_in_dim3A_688 : vector<288x128xi1>, vector<288x128xi32>
    %reduce_sum3A_690 = vector.shape_cast %select_n3A_689 : vector<288x128xi32> to vector<1x288x128xi32>
    %reduce_sum3A_691 = arith.constant dense<0> : vector<1xi32>
    %reduce_sum3A_692 = vector.multi_reduction <add>, %reduce_sum3A_690, %reduce_sum3A_691 [1, 2] : vector<1x288x128xi32> to vector<1xi32>
    %reduce_sum3A_693 = vector.shape_cast %reduce_sum3A_692 : vector<1xi32> to vector<1x1x1xi32>
    %reduce_sum3A_694 = vector.extract %reduce_sum3A_693[0, 0, 0] : i32 from vector<1x1x1xi32>
    %eq3A_695 = arith.constant 12 : i32
    %eq3A_696 = vector.broadcast %eq3A_695 : i32 to vector<1x32xi32>
    %eq3A_697 = arith.cmpi eq, %iota3A_491, %eq3A_696 : vector<1x32xi32>
    %broadcast_in_dim3A_698 = vector.broadcast %reduce_sum3A_694 : i32 to vector<1x32xi32>
    %select_n3A_699 = arith.select %eq3A_697, %broadcast_in_dim3A_698, %select_n3A_683 : vector<1x32xi1>, vector<1x32xi32>
    %lt3A_700 = arith.constant 234 : i32
    %lt3A_701 = vector.broadcast %lt3A_700 : i32 to vector<288x128xi32>
    %lt3A_702 = arith.cmpi slt, %iota3A, %lt3A_701 : vector<288x128xi32>
    %jit3A_703 = arith.constant 0 : i32
    %broadcast_in_dim3A_704 = vector.broadcast %jit3A_703 : i32 to vector<288x128xi32>
    %select_n3A_705 = arith.select %lt3A_702, %convert_element_type3A_490, %broadcast_in_dim3A_704 : vector<288x128xi1>, vector<288x128xi32>
    %reduce_sum3A_706 = vector.shape_cast %select_n3A_705 : vector<288x128xi32> to vector<1x288x128xi32>
    %reduce_sum3A_707 = arith.constant dense<0> : vector<1xi32>
    %reduce_sum3A_708 = vector.multi_reduction <add>, %reduce_sum3A_706, %reduce_sum3A_707 [1, 2] : vector<1x288x128xi32> to vector<1xi32>
    %reduce_sum3A_709 = vector.shape_cast %reduce_sum3A_708 : vector<1xi32> to vector<1x1x1xi32>
    %reduce_sum3A_710 = vector.extract %reduce_sum3A_709[0, 0, 0] : i32 from vector<1x1x1xi32>
    %eq3A_711 = arith.constant 13 : i32
    %eq3A_712 = vector.broadcast %eq3A_711 : i32 to vector<1x32xi32>
    %eq3A_713 = arith.cmpi eq, %iota3A_491, %eq3A_712 : vector<1x32xi32>
    %broadcast_in_dim3A_714 = vector.broadcast %reduce_sum3A_710 : i32 to vector<1x32xi32>
    %select_n3A_715 = arith.select %eq3A_713, %broadcast_in_dim3A_714, %select_n3A_699 : vector<1x32xi1>, vector<1x32xi32>
    %lt3A_716 = arith.constant 252 : i32
    %lt3A_717 = vector.broadcast %lt3A_716 : i32 to vector<288x128xi32>
    %lt3A_718 = arith.cmpi slt, %iota3A, %lt3A_717 : vector<288x128xi32>
    %jit3A_719 = arith.constant 0 : i32
    %broadcast_in_dim3A_720 = vector.broadcast %jit3A_719 : i32 to vector<288x128xi32>
    %select_n3A_721 = arith.select %lt3A_718, %convert_element_type3A_490, %broadcast_in_dim3A_720 : vector<288x128xi1>, vector<288x128xi32>
    %reduce_sum3A_722 = vector.shape_cast %select_n3A_721 : vector<288x128xi32> to vector<1x288x128xi32>
    %reduce_sum3A_723 = arith.constant dense<0> : vector<1xi32>
    %reduce_sum3A_724 = vector.multi_reduction <add>, %reduce_sum3A_722, %reduce_sum3A_723 [1, 2] : vector<1x288x128xi32> to vector<1xi32>
    %reduce_sum3A_725 = vector.shape_cast %reduce_sum3A_724 : vector<1xi32> to vector<1x1x1xi32>
    %reduce_sum3A_726 = vector.extract %reduce_sum3A_725[0, 0, 0] : i32 from vector<1x1x1xi32>
    %eq3A_727 = arith.constant 14 : i32
    %eq3A_728 = vector.broadcast %eq3A_727 : i32 to vector<1x32xi32>
    %eq3A_729 = arith.cmpi eq, %iota3A_491, %eq3A_728 : vector<1x32xi32>
    %broadcast_in_dim3A_730 = vector.broadcast %reduce_sum3A_726 : i32 to vector<1x32xi32>
    %select_n3A_731 = arith.select %eq3A_729, %broadcast_in_dim3A_730, %select_n3A_715 : vector<1x32xi1>, vector<1x32xi32>
    %lt3A_732 = arith.constant 270 : i32
    %lt3A_733 = vector.broadcast %lt3A_732 : i32 to vector<288x128xi32>
    %lt3A_734 = arith.cmpi slt, %iota3A, %lt3A_733 : vector<288x128xi32>
    %jit3A_735 = arith.constant 0 : i32
    %broadcast_in_dim3A_736 = vector.broadcast %jit3A_735 : i32 to vector<288x128xi32>
    %select_n3A_737 = arith.select %lt3A_734, %convert_element_type3A_490, %broadcast_in_dim3A_736 : vector<288x128xi1>, vector<288x128xi32>
    %reduce_sum3A_738 = vector.shape_cast %select_n3A_737 : vector<288x128xi32> to vector<1x288x128xi32>
    %reduce_sum3A_739 = arith.constant dense<0> : vector<1xi32>
    %reduce_sum3A_740 = vector.multi_reduction <add>, %reduce_sum3A_738, %reduce_sum3A_739 [1, 2] : vector<1x288x128xi32> to vector<1xi32>
    %reduce_sum3A_741 = vector.shape_cast %reduce_sum3A_740 : vector<1xi32> to vector<1x1x1xi32>
    %reduce_sum3A_742 = vector.extract %reduce_sum3A_741[0, 0, 0] : i32 from vector<1x1x1xi32>
    %eq3A_743 = arith.constant 15 : i32
    %eq3A_744 = vector.broadcast %eq3A_743 : i32 to vector<1x32xi32>
    %eq3A_745 = arith.cmpi eq, %iota3A_491, %eq3A_744 : vector<1x32xi32>
    %broadcast_in_dim3A_746 = vector.broadcast %reduce_sum3A_742 : i32 to vector<1x32xi32>
    %select_n3A_747 = arith.select %eq3A_745, %broadcast_in_dim3A_746, %select_n3A_731 : vector<1x32xi1>, vector<1x32xi32>
    %reduce_sum3A_748 = vector.shape_cast %convert_element_type3A_490 : vector<288x128xi32> to vector<1x288x128xi32>
    %reduce_sum3A_749 = arith.constant dense<0> : vector<1xi32>
    %reduce_sum3A_750 = vector.multi_reduction <add>, %reduce_sum3A_748, %reduce_sum3A_749 [1, 2] : vector<1x288x128xi32> to vector<1xi32>
    %reduce_sum3A_751 = vector.shape_cast %reduce_sum3A_750 : vector<1xi32> to vector<1x1x1xi32>
    %reduce_sum3A_752 = vector.extract %reduce_sum3A_751[0, 0, 0] : i32 from vector<1x1x1xi32>
    %min3A = arith.constant 6144 : i32
    %min3A_753 = arith.minsi %reduce_sum3A_752, %min3A : i32
    %eq3A_754 = arith.constant 16 : i32
    %eq3A_755 = vector.broadcast %eq3A_754 : i32 to vector<1x32xi32>
    %eq3A_756 = arith.cmpi eq, %iota3A_491, %eq3A_755 : vector<1x32xi32>
    %broadcast_in_dim3A_757 = vector.broadcast %min3A_753 : i32 to vector<1x32xi32>
    %select_n3A_758 = arith.select %eq3A_756, %broadcast_in_dim3A_757, %select_n3A_747 : vector<1x32xi1>, vector<1x32xi32>
    %swap3A_759 = arith.constant 0 : index
    %swap3A_760 = arith.constant 0 : index
    %swap3A_761 = vector.load %arg2[%swap3A_759, %swap3A_760] : memref<1x32xi32, #tpu.memory_space<vmem>>, vector<1x32xi32>
    tpu.vector_store %arg2[%swap3A_759, %swap3A_760], %select_n3A_758 {strides = array<i32>} : memref<1x32xi32, #tpu.memory_space<vmem>>, vector<1x32xi32>,
    return
  }
}

module attributes {stable_mosaic.version = 14 : i64} {
  func.func @_nms_body(%arg0: memref<49x128xf32, #tpu.memory_space<vmem>>, %arg1: memref<49x128xf32, #tpu.memory_space<vmem>>, %arg2: memref<49x128xf32, #tpu.memory_space<vmem>>, %arg3: memref<49x128xf32, #tpu.memory_space<vmem>>, %arg4: memref<49x128xf32, #tpu.memory_space<vmem>>, %arg5: memref<1x32xi32, #tpu.memory_space<vmem>>, %arg6: memref<304x8xf32, #tpu.memory_space<vmem>>) attributes {dimension_semantics = [], scalar_prefetch = 0 : i64, scratch_operands = 0 : i64, tpu.core_type = #tpu.core_type<tc>} {
    %get3A = arith.constant 0 : index
    %get3A_0 = arith.constant 0 : index
    %get3A_1 = vector.load %arg1[%get3A, %get3A_0] : memref<49x128xf32, #tpu.memory_space<vmem>>, vector<49x128xf32>
    %get3A_2 = arith.constant 0 : index
    %get3A_3 = arith.constant 0 : index
    %get3A_4 = vector.load %arg2[%get3A_2, %get3A_3] : memref<49x128xf32, #tpu.memory_space<vmem>>, vector<49x128xf32>
    %get3A_5 = arith.constant 0 : index
    %get3A_6 = arith.constant 0 : index
    %get3A_7 = vector.load %arg3[%get3A_5, %get3A_6] : memref<49x128xf32, #tpu.memory_space<vmem>>, vector<49x128xf32>
    %get3A_8 = arith.constant 0 : index
    %get3A_9 = arith.constant 0 : index
    %get3A_10 = vector.load %arg4[%get3A_8, %get3A_9] : memref<49x128xf32, #tpu.memory_space<vmem>>, vector<49x128xf32>
    %get3A_11 = arith.constant 0 : index
    %get3A_12 = arith.constant 16 : index
    %get3A_13 = vector.load %arg5[%get3A_11, %get3A_12] : memref<1x32xi32, #tpu.memory_space<vmem>>, vector<1x1xi32>
    %iota3A = tpu.iota {dimensions = array<i32: 0>} : vector<49x128xi32>
    %mul3A = arith.constant 128 : i32
    %mul3A_14 = vector.broadcast %mul3A : i32 to vector<49x128xi32>
    %mul3A_15 = arith.muli %iota3A, %mul3A_14 : vector<49x128xi32>
    %iota3A_16 = tpu.iota {dimensions = array<i32: 1>} : vector<49x128xi32>
    %add3A = arith.addi %mul3A_15, %iota3A_16 : vector<49x128xi32>
    %lt3A = vector.broadcast %get3A_13 : vector<1x1xi32> to vector<49x128xi32>
    %lt3A_17 = arith.cmpi slt, %add3A, %lt3A : vector<49x128xi32>
    %get3A_18 = arith.constant 0 : index
    %get3A_19 = arith.constant 0 : index
    %get3A_20 = vector.load %arg0[%get3A_18, %get3A_19] : memref<49x128xf32, #tpu.memory_space<vmem>>, vector<49x128xf32>
    %jit3A = arith.constant 0xFF800000 : f32
    %broadcast_in_dim3A = vector.broadcast %jit3A : f32 to vector<49x128xf32>
    %select_n3A = arith.select %lt3A_17, %get3A_20, %broadcast_in_dim3A : vector<49x128xi1>, vector<49x128xf32>
    %sub3A = arith.subf %get3A_7, %get3A_1 : vector<49x128xf32>
    %add3A_21 = arith.constant 1.000000e+00 : f32
    %add3A_22 = vector.broadcast %add3A_21 : f32 to vector<49x128xf32>
    %add3A_23 = arith.addf %sub3A, %add3A_22 : vector<49x128xf32>
    %sub3A_24 = arith.subf %get3A_10, %get3A_4 : vector<49x128xf32>
    %add3A_25 = arith.constant 1.000000e+00 : f32
    %add3A_26 = vector.broadcast %add3A_25 : f32 to vector<49x128xf32>
    %add3A_27 = arith.addf %sub3A_24, %add3A_26 : vector<49x128xf32>
    %mul3A_28 = arith.mulf %add3A_23, %add3A_27 : vector<49x128xf32>
    %add3A_29 = arith.constant 1.000000e+00 : f32
    %add3A_30 = vector.broadcast %add3A_29 : f32 to vector<49x128xf32>
    %add3A_31 = arith.addf %get3A_7, %add3A_30 : vector<49x128xf32>
    %add3A_32 = arith.constant 1.000000e+00 : f32
    %add3A_33 = vector.broadcast %add3A_32 : f32 to vector<49x128xf32>
    %add3A_34 = arith.addf %get3A_10, %add3A_33 : vector<49x128xf32>
    %iota3A_35 = tpu.iota {dimensions = array<i32: 1>} : vector<1x8xi32>
    %scan3A = arith.constant 0.000000e+00 : f32
    %scan3A_36 = arith.constant 0.000000e+00 : f32
    %scan3A_37 = arith.constant 0.000000e+00 : f32
    %scan3A_38 = arith.constant 0.000000e+00 : f32
    %scan3A_39 = arith.constant 0 : i32
    %scan3A_40 = arith.constant 300 : i32
    %scan3A_41 = arith.addi %scan3A_39, %scan3A_40 : i32
    %scan3A_42 = arith.constant 1 : i32
    %scan3A_43:5 = scf.for %scan3A_45 = %scan3A_39 to %scan3A_41 step %scan3A_42 iter_args(%scan3A_46 = %select_n3A, %scan3A_47 = %scan3A, %scan3A_48 = %scan3A_36, %scan3A_49 = %scan3A_37, %scan3A_50 = %scan3A_38) -> (vector<49x128xf32>, f32, f32, f32, f32)  : i32 {
      %reduce_max3A = vector.shape_cast %scan3A_46 : vector<49x128xf32> to vector<1x49x128xf32>
      %reduce_max3A_51 = arith.constant dense<0xFF800000> : vector<1xf32>
      %reduce_max3A_52 = vector.multi_reduction <maximumf>, %reduce_max3A, %reduce_max3A_51 [1, 2] : vector<1x49x128xf32> to vector<1xf32>
      %reduce_max3A_53 = vector.shape_cast %reduce_max3A_52 : vector<1xf32> to vector<1x1x1xf32>
      %reduce_max3A_54 = vector.extract %reduce_max3A_53[0, 0, 0] : f32 from vector<1x1x1xf32>
      %eq3A = arith.constant 0xFF800000 : f32
      %eq3A_55 = arith.cmpf oeq, %reduce_max3A_54, %eq3A : f32
      %eq3A_56 = vector.broadcast %reduce_max3A_54 : f32 to vector<49x128xf32>
      %eq3A_57 = arith.cmpf oeq, %scan3A_46, %eq3A_56 : vector<49x128xf32>
      %jit3A_58 = arith.constant 0.000000e+00 : f32
      %broadcast_in_dim3A_59 = vector.broadcast %jit3A_58 : f32 to vector<49x128xf32>
      %select_n3A_60 = arith.select %eq3A_57, %get3A_1, %broadcast_in_dim3A_59 : vector<49x128xi1>, vector<49x128xf32>
      %reduce_sum3A = vector.shape_cast %select_n3A_60 : vector<49x128xf32> to vector<1x49x128xf32>
      %reduce_sum3A_61 = arith.constant dense<0.000000e+00> : vector<1xf32>
      %reduce_sum3A_62 = vector.multi_reduction <add>, %reduce_sum3A, %reduce_sum3A_61 [1, 2] : vector<1x49x128xf32> to vector<1xf32>
      %reduce_sum3A_63 = vector.shape_cast %reduce_sum3A_62 : vector<1xf32> to vector<1x1x1xf32>
      %reduce_sum3A_64 = vector.extract %reduce_sum3A_63[0, 0, 0] : f32 from vector<1x1x1xf32>
      %select_n3A_65 = arith.select %eq3A_55, %scan3A_47, %reduce_sum3A_64 : f32
      %jit3A_66 = arith.constant 0.000000e+00 : f32
      %broadcast_in_dim3A_67 = vector.broadcast %jit3A_66 : f32 to vector<49x128xf32>
      %select_n3A_68 = arith.select %eq3A_57, %get3A_4, %broadcast_in_dim3A_67 : vector<49x128xi1>, vector<49x128xf32>
      %reduce_sum3A_69 = vector.shape_cast %select_n3A_68 : vector<49x128xf32> to vector<1x49x128xf32>
      %reduce_sum3A_70 = arith.constant dense<0.000000e+00> : vector<1xf32>
      %reduce_sum3A_71 = vector.multi_reduction <add>, %reduce_sum3A_69, %reduce_sum3A_70 [1, 2] : vector<1x49x128xf32> to vector<1xf32>
      %reduce_sum3A_72 = vector.shape_cast %reduce_sum3A_71 : vector<1xf32> to vector<1x1x1xf32>
      %reduce_sum3A_73 = vector.extract %reduce_sum3A_72[0, 0, 0] : f32 from vector<1x1x1xf32>
      %select_n3A_74 = arith.select %eq3A_55, %scan3A_48, %reduce_sum3A_73 : f32
      %jit3A_75 = arith.constant 0.000000e+00 : f32
      %broadcast_in_dim3A_76 = vector.broadcast %jit3A_75 : f32 to vector<49x128xf32>
      %select_n3A_77 = arith.select %eq3A_57, %get3A_7, %broadcast_in_dim3A_76 : vector<49x128xi1>, vector<49x128xf32>
      %reduce_sum3A_78 = vector.shape_cast %select_n3A_77 : vector<49x128xf32> to vector<1x49x128xf32>
      %reduce_sum3A_79 = arith.constant dense<0.000000e+00> : vector<1xf32>
      %reduce_sum3A_80 = vector.multi_reduction <add>, %reduce_sum3A_78, %reduce_sum3A_79 [1, 2] : vector<1x49x128xf32> to vector<1xf32>
      %reduce_sum3A_81 = vector.shape_cast %reduce_sum3A_80 : vector<1xf32> to vector<1x1x1xf32>
      %reduce_sum3A_82 = vector.extract %reduce_sum3A_81[0, 0, 0] : f32 from vector<1x1x1xf32>
      %select_n3A_83 = arith.select %eq3A_55, %scan3A_49, %reduce_sum3A_82 : f32
      %jit3A_84 = arith.constant 0.000000e+00 : f32
      %broadcast_in_dim3A_85 = vector.broadcast %jit3A_84 : f32 to vector<49x128xf32>
      %select_n3A_86 = arith.select %eq3A_57, %get3A_10, %broadcast_in_dim3A_85 : vector<49x128xi1>, vector<49x128xf32>
      %reduce_sum3A_87 = vector.shape_cast %select_n3A_86 : vector<49x128xf32> to vector<1x49x128xf32>
      %reduce_sum3A_88 = arith.constant dense<0.000000e+00> : vector<1xf32>
      %reduce_sum3A_89 = vector.multi_reduction <add>, %reduce_sum3A_87, %reduce_sum3A_88 [1, 2] : vector<1x49x128xf32> to vector<1xf32>
      %reduce_sum3A_90 = vector.shape_cast %reduce_sum3A_89 : vector<1xf32> to vector<1x1x1xf32>
      %reduce_sum3A_91 = vector.extract %reduce_sum3A_90[0, 0, 0] : f32 from vector<1x1x1xf32>
      %select_n3A_92 = arith.select %eq3A_55, %scan3A_50, %reduce_sum3A_91 : f32
      %eq3A_93 = arith.constant 0 : i32
      %eq3A_94 = arith.cmpi eq, %scan3A_45, %eq3A_93 : i32
      %select_n3A_95 = arith.select %eq3A_94, %select_n3A_65, %scan3A_47 : f32
      %select_n3A_96 = arith.select %eq3A_94, %select_n3A_74, %scan3A_48 : f32
      %select_n3A_97 = arith.select %eq3A_94, %select_n3A_83, %scan3A_49 : f32
      %select_n3A_98 = arith.select %eq3A_94, %select_n3A_92, %scan3A_50 : f32
      %sub3A_99 = arith.subf %select_n3A_83, %select_n3A_65 : f32
      %add3A_100 = arith.constant 1.000000e+00 : f32
      %add3A_101 = arith.addf %sub3A_99, %add3A_100 : f32
      %sub3A_102 = arith.subf %select_n3A_92, %select_n3A_74 : f32
      %add3A_103 = arith.constant 1.000000e+00 : f32
      %add3A_104 = arith.addf %sub3A_102, %add3A_103 : f32
      %mul3A_105 = arith.mulf %add3A_101, %add3A_104 : f32
      %add3A_106 = arith.constant 1.000000e+00 : f32
      %add3A_107 = arith.addf %select_n3A_83, %add3A_106 : f32
      %min3A = vector.broadcast %add3A_107 : f32 to vector<49x128xf32>
      %min3A_108 = arith.minimumf %min3A, %add3A_31 : vector<49x128xf32>
      %max3A = vector.broadcast %select_n3A_65 : f32 to vector<49x128xf32>
      %max3A_109 = arith.maximumf %max3A, %get3A_1 : vector<49x128xf32>
      %sub3A_110 = arith.subf %min3A_108, %max3A_109 : vector<49x128xf32>
      %max3A_111 = arith.constant 0.000000e+00 : f32
      %max3A_112 = vector.broadcast %max3A_111 : f32 to vector<49x128xf32>
      %max3A_113 = arith.maximumf %max3A_112, %sub3A_110 : vector<49x128xf32>
      %add3A_114 = arith.constant 1.000000e+00 : f32
      %add3A_115 = arith.addf %select_n3A_92, %add3A_114 : f32
      %min3A_116 = vector.broadcast %add3A_115 : f32 to vector<49x128xf32>
      %min3A_117 = arith.minimumf %min3A_116, %add3A_34 : vector<49x128xf32>
      %max3A_118 = vector.broadcast %select_n3A_74 : f32 to vector<49x128xf32>
      %max3A_119 = arith.maximumf %max3A_118, %get3A_4 : vector<49x128xf32>
      %sub3A_120 = arith.subf %min3A_117, %max3A_119 : vector<49x128xf32>
      %max3A_121 = arith.constant 0.000000e+00 : f32
      %max3A_122 = vector.broadcast %max3A_121 : f32 to vector<49x128xf32>
      %max3A_123 = arith.maximumf %max3A_122, %sub3A_120 : vector<49x128xf32>
      %mul3A_124 = arith.mulf %max3A_113, %max3A_123 : vector<49x128xf32>
      %add3A_125 = vector.broadcast %mul3A_105 : f32 to vector<49x128xf32>
      %add3A_126 = arith.addf %mul3A_28, %add3A_125 : vector<49x128xf32>
      %sub3A_127 = arith.subf %add3A_126, %mul3A_124 : vector<49x128xf32>
      %mul3A_128 = arith.constant 0.699999988 : f32
      %mul3A_129 = vector.broadcast %mul3A_128 : f32 to vector<49x128xf32>
      %mul3A_130 = arith.mulf %mul3A_129, %sub3A_127 : vector<49x128xf32>
      %gt3A = arith.cmpf ogt, %mul3A_124, %mul3A_130 : vector<49x128xf32>
      %jit3A_131 = arith.constant 0xFF800000 : f32
      %broadcast_in_dim3A_132 = vector.broadcast %jit3A_131 : f32 to vector<49x128xf32>
      %select_n3A_133 = arith.select %gt3A, %broadcast_in_dim3A_132, %scan3A_46 : vector<49x128xi1>, vector<49x128xf32>
      %eq3A_134 = arith.constant 1 : i32
      %eq3A_135 = vector.broadcast %eq3A_134 : i32 to vector<1x8xi32>
      %eq3A_136 = arith.cmpi eq, %iota3A_35, %eq3A_135 : vector<1x8xi32>
      %eq3A_137 = arith.constant 2 : i32
      %eq3A_138 = vector.broadcast %eq3A_137 : i32 to vector<1x8xi32>
      %eq3A_139 = arith.cmpi eq, %iota3A_35, %eq3A_138 : vector<1x8xi32>
      %eq3A_140 = arith.constant 3 : i32
      %eq3A_141 = vector.broadcast %eq3A_140 : i32 to vector<1x8xi32>
      %eq3A_142 = arith.cmpi eq, %iota3A_35, %eq3A_141 : vector<1x8xi32>
      %eq3A_143 = arith.constant 4 : i32
      %eq3A_144 = vector.broadcast %eq3A_143 : i32 to vector<1x8xi32>
      %eq3A_145 = arith.cmpi eq, %iota3A_35, %eq3A_144 : vector<1x8xi32>
      %jit3A_146 = arith.constant 0.000000e+00 : f32
      %broadcast_in_dim3A_147 = vector.broadcast %select_n3A_92 : f32 to vector<1x8xf32>
      %broadcast_in_dim3A_148 = vector.broadcast %jit3A_146 : f32 to vector<1x8xf32>
      %select_n3A_149 = arith.select %eq3A_145, %broadcast_in_dim3A_147, %broadcast_in_dim3A_148 : vector<1x8xi1>, vector<1x8xf32>
      %broadcast_in_dim3A_150 = vector.broadcast %select_n3A_83 : f32 to vector<1x8xf32>
      %select_n3A_151 = arith.select %eq3A_142, %broadcast_in_dim3A_150, %select_n3A_149 : vector<1x8xi1>, vector<1x8xf32>
      %broadcast_in_dim3A_152 = vector.broadcast %select_n3A_74 : f32 to vector<1x8xf32>
      %select_n3A_153 = arith.select %eq3A_139, %broadcast_in_dim3A_152, %select_n3A_151 : vector<1x8xi1>, vector<1x8xf32>
      %broadcast_in_dim3A_154 = vector.broadcast %select_n3A_65 : f32 to vector<1x8xf32>
      %select_n3A_155 = arith.select %eq3A_136, %broadcast_in_dim3A_154, %select_n3A_153 : vector<1x8xi1>, vector<1x8xf32>
      %swap3A = arith.index_cast %scan3A_45 : i32 to index
      %swap3A_156 = arith.constant 0 : index
      %swap3A_157 = vector.load %arg6[%swap3A, %swap3A_156] : memref<304x8xf32, #tpu.memory_space<vmem>>, vector<1x8xf32>
      tpu.vector_store %arg6[%swap3A, %swap3A_156], %select_n3A_155 {strides = array<i32>} : memref<304x8xf32, #tpu.memory_space<vmem>>, vector<1x8xf32>,
      scf.yield %select_n3A_133, %select_n3A_95, %select_n3A_96, %select_n3A_97, %select_n3A_98 : vector<49x128xf32>, f32, f32, f32, f32
    }
    %scan3A_44 = arith.constant 300 : i32
    return
  }
}

</mosaic_0001>

<sc_bundles>
// kernel: kernel.6.cloned.1.call-start
scs
__scs_entry_jumppad:
0x0: {  	(pc) =	sbr.rel $0x88, $3  }
0x1: {  	(tag) =	ssettag $0x0;
	lr =	simm.s32 $0x1  }
0x2: {  	[smem:$0x3F99] =	sst lr;
	_ =	strace $0xD0000000  }
0x3: {  	_ = 	snop  }
0x4: {  	_ = 	snop  }
0x5: {  	_ = 	snop  }
0x6: {  	_ = 	snop  }
0x7: {  	_ = 	snop  }
__scs_overlays_trampoline_lowered:
0x8: {  	[smem:$0x3FA8] =	sst s0  }
0x9: {  	[smem:$0x3FA9] =	sst s1  }
0xa: {  	[smem:$0x3FAA] =	sst s2  }
0xb: {  	[smem:$0x3FAB] =	sst s3  }
0xc: {  	[smem:$0x3FAC] =	sst s4  }
0xd: {  	[smem:$0x3FAD] =	sst s5  }
0xe: {  	[smem:$0x3FAE] =	sst s6  }
0xf: {  	[smem:$0x3FAF] =	sst s7  }
0x10: {  	[smem:$0x3FB0] =	sst s8  }
0x11: {  	[smem:$0x3FB1] =	sst s9;
	s0 =	simm.s32 @!p0 $0x0  }
0x12: {  	s1 =	sld [smem:$0x3F97];
	s0 =	simm.s32 @p0 $0x1  }
0x13: {  	[smem:$0x3FB2] =	sst s0;
	s0 =	simm.s32 @!p1 $0x0  }
0x14: {  	s2 =	sld [smem:$0x3F96];
	s0 =	simm.s32 @p1 $0x1  }
0x15: {  	[smem:$0x3FB3] =	sst s0;
	s0 =	simm.s32 @!p2 $0x0  }
0x16: {  	s3 =	sld [smem:$0x3FDB];
	s0 =	simm.s32 @p2 $0x1  }
0x17: {  	s4 =	simm.s32 $0x1BF5;
	[smem:$0x3FB5] =	sst s0  }
0x18: {  	s0 =	sld [smem:$0x3F98];
	_ =	swait.ge [sflag:s4], $0x0  }
0x19: {  	s7 =	sld [smem:$0x3F99]  }
0x1a: {  	s8 =	sadd.s32 $0xFFFFE003, lr  }
0x1b: {  	s9 =	sadd.s32 $0xFFFFFEF7, lr;
	s5 =	simm.s32 $0xFFFFFFFF;
	p2 =	slt.u32 s8, $0xFFFFF086  }
0x1c: {  	p1 =	slt.u32 s9, $0xF7A;
	s5 =	simm.s32 @!p2 $0x0  }
0x1d: {  	s5 =	simm.s32 @p1 $0x1;
	p0 =	seq.s32 s7, s2  }
0x1e: {  	s7 =	smul.u32 @!p0 $0xF7A, s2;
	p2 =	seq.s32 @!p0 s5, $0x0  }
0x1f: {  	s9 =	smul.u32 $0xF7A, s1;
	s8 =	simm.s32 @!p0 $0x1BF5;
	p2 =	por !p2, p0  }
0x20: {  	[sflag:s8] =	ssyncset.s32 @!p0 $0xFFFFF086;
	s6 =	sadd.s32 @!p0 s3, s7;
	s7 =	simm.s32 @!p0 $0x108  }
0x21: {  	s3 =	sadd.s32 s3, s9;
	s6 =	sadd.s32 @!p0 $0x88, s6;
	s7 =	simm.s32 @p2 $0x1082  }
0x22: {  	[simem:s7], [sflag:s8] =	dma.local @!p0 [hbm:s6], $0xF7A  }
0x23: {  	s9 =	sor.u32 $0xD0000000, s2;
	s6 =	simm.s32 $0x108;
	_ =	swait.ge @!p0 [sflag:s8], $0x0  }
0x24: {  	s3 =	sadd.s32 $0x88, s3;
	s6 =	simm.s32 @!p1 $0x1082;
	[sflag:s4] =	ssyncset.s32 $0xFFFFF086  }
0x25: {  	[simem:s6], [sflag:s4] =	dma.local [hbm:s3], $0xF7A  }
0x26: {  	[smem:$0x3F99] =	sst s1;
	(tag) =	ssettag s2;
	_ =	strace s9  }
0x27: {  	s1 =	sld [smem:$0x3FA9]  }
0x28: {  	s2 =	sld [smem:$0x3FAA]  }
0x29: {  	s4 =	sld [smem:$0x3FAC]  }
0x2a: {  	p0 =	seq.s32 s5, $0x0;
	s5 =	sld [smem:$0x3FAD]  }
0x2b: {  	s6 =	sld [smem:$0x3FAE]  }
0x2c: {  	s7 =	sld [smem:$0x3FAF]  }
0x2d: {  	s3 =	simm.s32 $0x108;
	s8 =	sld [smem:$0x3FB0]  }
0x2e: {  	s3 =	simm.s32 @!p0 $0x1082;
	s9 =	sld [smem:$0x3FB1]  }
0x2f: {  	lr =	sadd.s32 s0, s3;
	s0 =	sld [smem:$0x3FA8]  }
0x30: {  	s3 =	sld [smem:$0x3FAB]  }
0x31: {  	[smem:$0x3FB4] =	sst s10  }
0x32: {  	s10 =	sld [smem:$0x3FB2];
	_ =	sdelay $0x3  }
0x33: {  	p0 =	seq.s32 s10, $0x1;
	s10 =	sld [smem:$0x3FB4];
	_ =	sdelay $0x3  }
0x34: {  	[smem:$0x3FB4] =	sst s10  }
0x35: {  	s10 =	sld [smem:$0x3FB3];
	_ =	sdelay $0x3  }
0x36: {  	p1 =	seq.s32 s10, $0x1;
	s10 =	sld [smem:$0x3FB4];
	_ =	sdelay $0x3  }
0x37: {  	[smem:$0x3FB4] =	sst s10  }
0x38: {  	s10 =	sld [smem:$0x3FB5]  }
0x39: {  	_ = 	snop;
	(pc) =	sbr.ind lr, $3  }
0x3a: {  	_ = 	snop  }
0x3b: {  	_ = 	snop  }
0x3c: {  	p2 =	seq.s32 s10, $0x1;
	s10 =	sld [smem:$0x3FB4]  }
0x3d: {  	_ =	shalt  }
0x3e: {  	_ =	shalt  }
0x3f: {  	_ =	shalt  }
0x40: {  	_ =	shalt  }
0x41: {  	_ =	shalt  }
0x42: {  	_ =	shalt  }
0x43: {  	_ =	shalt  }
0x44: {  	_ =	shalt  }
0x45: {  	_ =	shalt  }
0x46: {  	_ =	shalt  }
0x47: {  	_ =	shalt  }
0x48: {  	_ =	shalt  }
0x49: {  	_ =	shalt  }
0x4a: {  	_ =	shalt  }
0x4b: {  	_ =	shalt  }
0x4c: {  	_ =	shalt  }
0x4d: {  	_ =	shalt  }
0x4e: {  	_ =	shalt  }
0x4f: {  	_ =	shalt  }
0x50: {  	_ =	shalt  }
0x51: {  	_ =	shalt  }
0x52: {  	_ =	shalt  }
0x53: {  	_ =	shalt  }
0x54: {  	_ =	shalt  }
0x55: {  	_ =	shalt  }
0x56: {  	_ =	shalt  }
0x57: {  	_ =	shalt  }
0x58: {  	_ =	shalt  }
0x59: {  	_ =	shalt  }
0x5a: {  	_ =	shalt  }
0x5b: {  	_ =	shalt  }
0x5c: {  	_ =	shalt  }
0x5d: {  	_ =	shalt  }
0x5e: {  	_ =	shalt  }
0x5f: {  	_ =	shalt  }
0x60: {  	_ =	shalt  }
0x61: {  	_ =	shalt  }
0x62: {  	_ =	shalt  }
0x63: {  	_ =	shalt  }
0x64: {  	_ =	shalt  }
0x65: {  	_ =	shalt  }
0x66: {  	_ =	shalt  }
0x67: {  	_ =	shalt  }
0x68: {  	_ =	shalt  }
0x69: {  	_ =	shalt  }
0x6a: {  	_ =	shalt  }
0x6b: {  	_ =	shalt  }
0x6c: {  	_ =	shalt  }
0x6d: {  	_ =	shalt  }
0x6e: {  	_ =	shalt  }
0x6f: {  	_ =	shalt  }
0x70: {  	_ =	shalt  }
0x71: {  	_ =	shalt  }
0x72: {  	_ =	shalt  }
0x73: {  	_ =	shalt  }
0x74: {  	_ =	shalt  }
0x75: {  	_ =	shalt  }
0x76: {  	_ =	shalt  }
0x77: {  	_ =	shalt  }
0x78: {  	_ =	shalt  }
0x79: {  	_ =	shalt  }
0x7a: {  	_ =	shalt  }
0x7b: {  	_ =	shalt  }
0x7c: {  	_ =	shalt  }
0x7d: {  	_ =	shalt  }
0x7e: {  	_ =	shalt  }
0x7f: {  	_ =	shalt  }
0x80: {  	_ =	shalt  }
0x81: {  	_ =	shalt  }
0x82: {  	_ =	shalt  }
0x83: {  	_ =	shalt  }
0x84: {  	_ =	shalt  }
0x85: {  	_ =	shalt  }
0x86: {  	_ =	shalt  }
0x87: {  	_ =	shalt  }
.Lfunc_end0:
.L_simem_size_0:
called_computation_lowered:
.L_overlay_start_0:
0x88: {  	s0 =	sld [smem:$0x3FD9]  }
0x89: {  	s1 =	sld [smem:$0x3FFE];
	_ =	sdelay $0x3  }
0x8a: {  	s0 =	sadd.s32 s1, s0  }
0x8b: {  	[smem:$0x3FC0] =	sst s0  }
0x8c: {  	_ = 	snop  }
0x8d: {  	s0 =	sld [smem:$0x3FD0];
	(tm) =	ssettm $0x1  }
0x8e: {  	s16 =	sld [smem:$0x3FFB];
	_ =	sdelay $0x3  }
0x8f: {  	_ =	strace s16  }
0x90: {  	s1 =	sld [smem:$0x3FFC];
	_ =	sdelay $0x3  }
0x91: {  	_ =	strace s1  }
0x92: {  	s1 =	sld [smem:$0x3FFD];
	_ =	sdelay $0x3  }
0x93: {  	_ =	strace s1  }
0x94: {  	_ =	strace $0x8FFFFFFF  }
0x95: {  	s17 =	sld [smem:$0x3FDB];
	_ =	sdelay $0x1  }
0x96: {  	s2 =	simm.s32 $_scs_section_size  }
0x97: {  	s3 =	simm.s32 $_size__tile_overlayer_lowered;
	s4 =	simm.s32 $_tile_overlayer_lowered  }
0x98: {  	s20 =	simm.s32 $0x1BFF;
	s19 =	sshll.u32 s4, $0x1;
	s1 =	sadd.s32 s2, s17  }
0x99: {  	s5 =	simm.s32 $0x0;
	s18 =	sshll.u32 s3, $0x1;
	s3 =	sadd.s32 s19, s1  }
0x9a: {  	[timem:s5], [sflag:s20] =	dma.local [hbm:s3], s18  }
0x9b: {  	_ =	swait.ge [sflag:s20], s18  }
0x9c: {  	s2 =	ssub.s32 $0x0, s18;
	[sflag:s20] =	ssyncset.done $0x0  }
0x9d: {  	[sflag:s20] =	ssyncadd.s32 s2;
	_ =	sdelay $0x1  }
0x9e: {  	s21 =	simm.s32 $0x1B8B  }
0x9f: {  	_ =	swait.ge [sflag:s21], $0x1  }
0xa0: {  	[sflag:s21] =	ssyncset.done $0x0  }
0xa1: {  	s23 =	simm.s32 $0x1B8E;
	s22 =	sld [smem:$0x3FFE];
	[sflag:s21] =	ssyncadd.s32 $0xFFFFFFFF  }
0xa2: {  	s24 =	simm.s32 $execute0_lowered;
	[smem:$0x3FD2] =	sst s23  }
0xa3: {  	s3 =	sshll.u32 s24, $0x1;
	_ =	strace $0x80000046;
	[dreg:$0x1] =	wrdreg $0xFFFFFFFF  }
0xa4: {  	s25 =	simm.s32 $_size_execute0_lowered;
	s1 =	sadd.s32 s1, s3;
	[dreg:$0x0] =	wrdreg $0x0  }
0xa5: {  	s3 =	sshll.u32 s25, $0x1;
	[dreg:$0x2] =	wrdreg s1  }
0xa6: {  	[dreg:$0x3] =	wrdreg s3  }
0xa7: {  	[dreg:$0x4] =	wrdreg $0xC0  }
0xa8: {  	_ =	task [dreg:s5], $0x5FFFF  }
0xa9: {  	[dreg:$0x1] =	wrdreg $0xFFFFFFFF  }
0xaa: {  	[dreg:$0x0] =	wrdreg $0x60  }
0xab: {  	[dreg:$0x2] =	wrdreg s22  }
0xac: {  	[dreg:$0x3] =	wrdreg s0  }
0xad: {  	[dreg:$0x4] =	wrdreg $0x39800  }
0xae: {  	[dreg:$0x5] =	wrdreg $0x3B080  }
0xaf: {  	[dreg:$0x6] =	wrdreg $0x3C900  }
0xb0: {  	[dreg:$0x7] =	wrdreg $0x3E180  }
0xb1: {  	[dreg:$0x8] =	wrdreg $0x3FA00  }
0xb2: {  	[dreg:$0x9] =	wrdreg $0x9  }
0xb3: {  	_ =	task.clear_ibuf [dreg:s5], $0xAFFFF;
	_ =	strace $0x90000046  }
0xb4: {  	s26 =	simm.s32 $0x9;
	_ =	strace $0x80000048  }
0xb5: {  	_ =	swait.ge [sflag:s26], $0x1  }
0xb6: {  	[sflag:s26] =	ssyncadd.s32 $0xFFFFFFFF  }
0xb7: {  	_ =	strace $0x90000048  }
0xb8: {  	_ =	sfence  }
0xb9: {  	s28 =	sld [smem:$0x0];
	_ =	sdelay $0x1  }
0xba: {  	s29 =	srdreg.scid  }
0xbb: {  	s30 =	sshll.u32 s29, $0xD;
	s31 =	sshrl.u32 s29, $0x2  }
0xbc: {  	s2 =	sand.u32 $0x4000, s30;
	s1 =	sand.u32 $0x1, s29;
	s0 =	sadd.s32 s31, s28  }
0xbd: {  	s1 =	sor.u32 s2, s1;
	s0 =	sshll.u32 s0, $0x11  }
0xbe: {  	s0 =	sor.u32 s0, s1  }
0xbf: {  	s0 =	sadd.s32 $0x8F2B, s0  }
0xc0: {  	[sflag:s0] =	ssyncadd.remote.s32 $0x1  }
0xc1: {  	_ =	sfence.sel $0xFFFF  }
0xc2: {  	[dreg:$0x0] =	wrdreg $0xFFFFFFFF;
	(pc) =	sbr.abs _section_cstart, $3  }
0xc3: {  	[dreg:$0x1] =	wrdreg $0xFFFFFFFF  }
0xc4: {  	_ =	task.clear_ibuf [dreg:s5], $0x2FFFF;
	_ =	strace $0x9FFFFFFF  }
0xc5: {  	(tm) =	ssettm $0x7FFFFFFF  }
tec
execute0_lowered:
.L_overlay_start_1:
0x0: {  	(tag) =	ssettag $0x1  }
0x1: {  	s8 =	rddreg [dreg:$0x0]  }
0x2: {  	s7 =	rddreg [dreg:$0x1]  }
0x3: {  	s6 =	rddreg [dreg:$0x2]  }
0x4: {  	s5 =	rddreg [dreg:$0x3]  }
0x5: {  	s4 =	rddreg [dreg:$0x4]  }
0x6: {  	s3 =	rddreg [dreg:$0x5];
	s0 =	stileid.u32  }
0x7: {  	s2 =	rddreg [dreg:$0x6];
	s9 =	smul.u32 $0x120, s0  }
0x8: {  	s1 =	rddreg [dreg:$0x7];
	s10 =	simm.s32 $0x0  }
0x9: {  	[smem:$0x7FF] =	sst s10;
	s9 =	sadd.s32 s9, s8  }
0xa: {  	s18 =	simm.s32 $0x2;
	_ =	strace $0x80000047;
	s11 =	sadd.s32 $0x2A00, s9  }
0xb: {  	[tilespmem:s10], [sflag:$0x2] =	stream.linear.gather [hbm4b:s11+s10], $0x900, $0x38;
	[tilespmem:$0x4128] =	vst v63  }
0xc: {  	_ =	swait.ge [sflag:s18], $0x900  }
0xd: {  	[sflag:s18] =	ssyncset.done $0x0  }
0xe: {  	s13 =	simm.s32 $0x900;
	s12 =	sadd.s32 $0x3C00, s9;
	[sflag:s18] =	ssyncadd.s32 $0xFFFFF700  }
0xf: {  	[tilespmem:s13], [sflag:$0x2] =	stream.linear.gather [hbm4b:s12+s10], $0x900, $0x38;
	[tilespmem:$0x4128] =	vst v63  }
0x10: {  	_ =	swait.ge [sflag:s18], $0x900  }
0x11: {  	[sflag:s18] =	ssyncset.done $0x0  }
0x12: {  	s20 =	simm.s32 $0x1200;
	s19 =	sadd.s32 $0x4E00, s9;
	[sflag:s18] =	ssyncadd.s32 $0xFFFFF700  }
0x13: {  	[tilespmem:s20], [sflag:$0x2] =	stream.linear.gather [hbm4b:s19+s10], $0x900, $0x38;
	[tilespmem:$0x4128] =	vst v63  }
0x14: {  	_ =	swait.ge [sflag:s18], $0x900  }
0x15: {  	[sflag:s18] =	ssyncset.done $0x0  }
0x16: {  	s22 =	simm.s32 $0x1B00;
	s21 =	sadd.s32 $0x6000, s9;
	[sflag:s18] =	ssyncadd.s32 $0xFFFFF700  }
0x17: {  	[tilespmem:s22], [sflag:$0x2] =	stream.linear.gather [hbm4b:s21+s10], $0x900, $0x38;
	[tilespmem:$0x4128] =	vst v63  }
0x18: {  	_ =	swait.ge [sflag:s18], $0x900  }
0x19: {  	[sflag:s18] =	ssyncset.done $0x0  }
0x1a: {  	s23 =	simm.s32 $0x2400;
	s9 =	sadd.s32 $0x7200, s9;
	[sflag:s18] =	ssyncadd.s32 $0xFFFFF700  }
0x1b: {  	[tilespmem:s23], [sflag:$0x2] =	stream.linear.gather [hbm4b:s9+s10], $0x900, $0x38;
	[tilespmem:$0x4128] =	vst v63  }
0x1c: {  	_ =	swait.ge [sflag:s18], $0x900  }
0x1d: {  	[sflag:s18] =	ssyncset.done $0x0  }
0x1e: {  	s24 =	simm.s32 $0x2D00;
	[sflag:s18] =	ssyncadd.s32 $0xFFFFF700  }
0x1f: {  	[tilespmem:s24], [sflag:$0x2] =	stream.linear.gather [hbm4b:s7+s10], $0x10, $0x38;
	[tilespmem:$0x4128] =	vst v63  }
0x20: {  	_ =	swait.ge [sflag:s18], $0x10  }
0x21: {  	[sflag:s18] =	ssyncset.done $0x0  }
0x22: {  	[sflag:s18] =	ssyncadd.s32 $0xFFFFFFF0  }
0x23: {  	s25 =	simm.s32 $0x0;
	v0 =	vld [tilespmem:$0x2D00]  }
0x24: {  	v1 =	vld [tilespmem:s25+$0x50]  }
0x25: {  	v2 =	vld [tilespmem:s25+$0x30]  }
0x26: {  	v5 =	vld [tilespmem:s25+$0x10];
	_ =	sdelay $0x1  }
0x27: {  	v4 =	vlaneseq.u32;
	v3 =	vmov s0  }
0x28: {  	vm0 =	veq.s32 v3, v4;
	v3 =	vld [tilespmem:s25+$0x0]  }
0x29: {  	v6 =	vld [tilespmem:s25+$0x20];
	v4 =	vnsel vm0, $0x0, v0;
	v0 =	vimm.s32 $0x0;
	vm0 =	vlt.f32 v1, $-Inf  }
0x2a: {  	vm1 =	vgt.f32 v1, $-Inf;
	vm2 =	vlt.f32 v2, $-Inf;
	vm3 =	vlt.f32 v5, $-Inf  }
0x2b: {  	vm4 =	vgt.f32 v5, $-Inf;
	vm0 =	vmor vm1, vm0;
	vm1 =	vgt.f32 v2, $-Inf  }
0x2c: {  	v1 =	vld [tilespmem:s25+$0x40];
	vm6 =	vmor vm4, vm3;
	v2 =	vsel vm0, $0x1, v0;
	vm11 =	vmor vm1, vm2  }
0x2d: {  	(xrf0) =	vadd.scan.msk.s32 $0xffff, v4;
	vm1 =	vlt.f32 v3, $-Inf;
	vm2 =	vgt.f32 v3, $-Inf;
	v3 =	vimm.s32 $0x0  }
0x2e: {  	(xrf0) =	vadd.scan.msk.s32 $0xffff, v2;
	v2 =	vsel vm11, $0x1, v0;
	vm2 =	vmor vm2, vm1;
	vm1 =	vlt.f32 v6, $-Inf  }
0x2f: {  	v3 =	vsel vm2, $0xFFFFFFFF, v3;
	(xrf0) =	vadd.scan.msk.s32 $0xffff, v2;
	v2 =	vsel vm2, $0x1, v0;
	vm2 =	vgt.f32 v6, $-Inf  }
0x30: {  	vm9 =	vmor vm2, vm1;
	(xrf0) =	vadd.scan.msk.s32 $0xffff, v2;
	v2 =	vsel vm6, $0x1, v0  }
0x31: {  	vm1 =	vlt.f32 v1, $-Inf;
	vm2 =	vgt.f32 v1, $-Inf;
	v1 =	vsel vm9, $0x1, v0  }
0x32: {  	(xrf0) =	vadd.scan.msk.s32 $0xffff, v2;
	vm12 =	vmor vm2, vm1  }
0x33: {  	(xrf0) =	vadd.scan.msk.s32 $0xffff, v1;
	v2 =	vsel vm12, $0x1, v0  }
0x34: {  	v1, _, _ =	vpop (xrf0)  }
0x35: {  	(v2sf) =	vpush v1, $0xF;
	v1, _, _ =	vpop (xrf0);
	(xrf0) =	vadd.scan.msk.s32 $0xffff, v2  }
0x36: {  	v2, _, _ =	vpop (xrf0);
	(v2sf) =	vpush v1, $0xF  }
0x37: {  	(v2sf) =	vpush v2, $0xF;
	v4, _, _ =	vpop (xrf0)  }
0x38: {  	s7 =	simm.s32 $0x80;
	[tilespmem:$0x1FFF0] =	vst v3;
	(v2sf) =	vpush v4, $0xF;
	v3, _, _ =	vpop (xrf0)  }
0x39: {  	v10 =	vld [tilespmem:s7+$0x50];
	(v2sf) =	vpush v3, $0xF;
	v5, _, _ =	vpop (xrf0)  }
0x3a: {  	v11 =	vld [tilespmem:s7+$0x40];
	(v2sf) =	vpush v5, $0xF  }
0x3b: {  	v14 =	vld [tilespmem:s7+$0x0];
	v6, _, _ =	vpop (xrf0)  }
0x3c: {  	v13 =	vld [tilespmem:s7+$0x10];
	(v2sf) =	vpush v6, $0xF  }
0x3d: {  	v7 =	vld [tilespmem:s25+$0x60]  }
0x3e: {  	v8 =	vld [tilespmem:s25+$0x70];
	_ =	sdelay $0x1  }
0x3f: {  	vm8 =	vgt.f32 v14, $-Inf  }
0x40: {  	v9 =	vld [tilespmem:s7+$0x60];
	vm15 =	vgt.f32 v13, $-Inf;
	vm3 =	vgt.f32 v10, $-Inf;
	vm4 =	vlt.f32 v11, $-Inf  }
0x41: {  	vm13 =	vmmov vm0;
	vm1 =	vlt.f32 v7, $-Inf;
	vm2 =	vgt.f32 v7, $-Inf;
	v7 =	vld [tilespmem:s7+$0x30]  }
0x42: {  	vm0 =	vlt.f32 v8, $-Inf;
	vm14 =	vmor vm2, vm1;
	vm1 =	vgt.f32 v8, $-Inf  }
0x43: {  	v8 =	vsel vm13, $0xFFFFFFFF, v0;
	vm2 =	vlt.f32 v10, $-Inf;
	vm12 =	vmmov vm12;
	s26 =	spop (v2sf)  }
0x44: {  	v12 =	vsel vm14, $0x1, v0;
	vm10 =	vmor vm1, vm0;
	v1 =	vadd.s32 v8, v1;
	v8 =	vld [tilespmem:s7+$0x20];
	s28 =	spop (v2sf)  }
0x45: {  	vm0 =	vlt.f32 v9, $-Inf;
	vm1 =	vgt.f32 v9, $-Inf;
	vm5 =	vmor vm3, vm2;
	s29 =	spop (v2sf)  }
0x46: {  	vm7 =	vmor vm1, vm0;
	vm0 =	vlt.f32 v7, $-Inf;
	vm2 =	vgt.f32 v7, $-Inf;
	(xrf0) =	vadd.scan.msk.s32 $0xffff, v12;
	s30 =	spop (v2sf)  }
0x47: {  	vm3 =	vlt.f32 v13, $-Inf;
	vm0 =	vmor vm2, vm0;
	vm2 =	vlt.f32 v14, $-Inf;
	s10 =	sadd.s32 s26, s30;
	s14 =	spop (v2sf)  }
0x48: {  	v9 =	vsel vm11, $0xFFFFFFFF, v0;
	v10 =	vsel vm12, $0xFFFFFFFF, v0;
	vm8 =	vmor vm8, vm2;
	s14 =	sadd.s32 s10, s14;
	s15 =	spop (v2sf)  }
0x49: {  	vm2 =	vmor vm15, vm3;
	vm1 =	vlt.f32 v8, $-Inf;
	vm3 =	vgt.f32 v8, $-Inf;
	s15 =	sadd.s32 s14, s15  }
0x4a: {  	vm11 =	vmmov vm11;
	vm3 =	vmor vm3, vm1;
	vm1 =	vgt.f32 v11, $-Inf;
	s16 =	spop (v2sf);
	s12 =	sadd.s32 s15, s29  }
0x4b: {  	v2 =	vadd.s32 v9, v2;
	vm4 =	vmor vm1, vm4;
	vm1 =	vmmov vm14;
	s16 =	sadd.s32 s12, s16  }
0x4c: {  	v6 =	vadd.s32 v10, v6;
	v8 =	vsel vm1, $0xFFFFFFFF, v0;
	v7, _, _ =	vpop (xrf0);
	v1 =	vadd.s32 s16, v1  }
0x4d: {  	(v2sf) =	vpush v7, $0xF;
	v7 =	vadd.s32 v8, v7;
	s11 =	sadd.s32 s16, s28;
	vm15 =	vlt.s32 v1, $0x1800  }
0x4e: {  	v10 =	vsel vm10, $0x1, v0;
	v7 =	vadd.s32 s11, v7;
	v1 =	vnsel vm15, $0x1800, v1  }
0x4f: {  	v8 =	vnsel vm13, $0x1800, v1;
	vm13 =	vlt.s32 v7, $0x1800;
	v1 =	vadd.s32 s15, v2  }
0x50: {  	v6 =	vadd.s32 s12, v6;
	v2 =	vnsel vm13, $0x1800, v7;
	vm13 =	vlt.s32 v1, $0x1800  }
0x51: {  	v1 =	vnsel vm13, $0x1800, v1;
	vm13 =	vlt.s32 v6, $0x1800;
	v7 =	vnsel vm1, $0x1800, v2  }
0x52: {  	v2 =	vnsel vm13, $0x1800, v6;
	v6 =	vnsel vm11, $0x1800, v1;
	v1 =	vsel vm9, $0xFFFFFFFF, v0  }
0x53: {  	v9 =	vsel vm6, $0xFFFFFFFF, v0;
	(xrf0) =	vadd.scan.msk.s32 $0xffff, v10;
	v1 =	vadd.s32 v1, v5;
	v5 =	vsel vm5, $0x1, v0  }
0x54: {  	v3 =	vadd.s32 v9, v3;
	(xrf0) =	vadd.scan.msk.s32 $0xffff, v5;
	v5 =	vsel vm0, $0x1, v0;
	v1 =	vadd.s32 s14, v1  }
0x55: {  	(xrf0) =	vadd.scan.msk.s32 $0xffff, v5;
	v5 =	vnsel vm12, $0x1800, v2;
	v2 =	vadd.s32 s10, v3;
	vm1 =	vlt.s32 v1, $0x1800  }
0x56: {  	v9 =	vsel vm8, $0x1, v0;
	v1 =	vnsel vm1, $0x1800, v1;
	vm1 =	vlt.s32 v2, $0x1800  }
0x57: {  	(xrf0) =	vadd.scan.msk.s32 $0xffff, v9;
	v9 =	vnsel vm1, $0x1800, v2;
	vm1 =	vmmov vm9  }
0x58: {  	v11 =	vnsel vm1, $0x1800, v1;
	v1 =	vld [tilespmem:$0x1FFF0];
	_ =	sdelay $0x1  }
0x59: {  	[tilespmem:s25+$0x2DD0] =	vst v8  }
0x5a: {  	v60 =	vsel vm10, $0xFFFFFFFF, v0;
	v10, _, _ =	vpop (xrf0);
	v8 =	vld [tilespmem:s7+$0x70]  }
0x5b: {  	(v2sf) =	vpush v10, $0xF;
	v10 =	vadd.s32 v60, v10;
	v3 =	vsel vm2, $0x1, v0  }
0x5c: {  	s31 =	spop (v2sf);
	v2 =	vsel vm3, $0x1, v0;
	(xrf0) =	vadd.scan.msk.s32 $0xffff, v3;
	vm1 =	vnez.u8 v1;
	v1 =	vsel vm4, $0x1, v0  }
0x5d: {  	s15 =	sadd.s32 s11, s31;
	vm11 =	vmmov vm5;
	v3 =	vsel vm7, $0x1, v0;
	(xrf0) =	vadd.scan.msk.s32 $0xffff, v2;
	vm5 =	vmmov vm1  }
0x5e: {  	v12 =	vadd.s32 s15, v10;
	(xrf0) =	vadd.scan.msk.s32 $0xffff, v1;
	v2 =	vsel vm5, $0xFFFFFFFF, v0  }
0x5f: {  	vm15 =	vlt.f32 v8, $-Inf;
	[tilespmem:s25+$0x2DA0] =	vst v11;
	v11 =	vsel vm0, $0xFFFFFFFF, v0;
	v1, _, _ =	vpop (xrf0);
	(xrf0) =	vadd.scan.msk.s32 $0xffff, v3  }
0x60: {  	vm1 =	vmmov vm6;
	vm6 =	vmmov vm11;
	v3, _, _ =	vpop (xrf0);
	(v2sf) =	vpush v1, $0xF  }
0x61: {  	[tilespmem:s25+$0x2DE0] =	vst v7;
	v62 =	vnsel vm1, $0x1800, v9;
	v61 =	vadd.s32 s26, v2;
	v2, _, _ =	vpop (xrf0);
	(v2sf) =	vpush v3, $0xF  }
0x62: {  	[tilespmem:s25+$0x2DB0] =	vst v6;
	vm1 =	vlt.s32 v12, $0x1800;
	v4 =	vadd.s32 v4, v61;
	(v2sf) =	vpush v2, $0xF;
	v9, _, _ =	vpop (xrf0)  }
0x63: {  	[tilespmem:s25+$0x2DC0] =	vst v5;
	v5 =	vnsel vm1, $0x1800, v12;
	vm1 =	vlt.s32 v4, $0x1800;
	(v2sf) =	vpush v9, $0xF;
	v10, _, _ =	vpop (xrf0)  }
0x64: {  	[tilespmem:s25+$0x2D90] =	vst v62;
	v5 =	vnsel vm10, $0x1800, v5;
	v4 =	vnsel vm1, $0x1800, v4;
	(v2sf) =	vpush v10, $0xF;
	v6, _, _ =	vpop (xrf0)  }
0x65: {  	s9 =	sadd.s32 $0x9000, s8;
	s12 =	sadd.s32 $0x8400, s8;
	s11 =	sadd.s32 $0x8800, s8;
	[tilespmem:s25+$0x2DF0] =	vst v5;
	v5 =	vsel vm2, $0xFFFFFFFF, v0;
	v63 =	vnsel vm5, $0x1800, v4;
	(v2sf) =	vpush v6, $0xF;
	v7, _, _ =	vpop (xrf0)  }
0x66: {  	s14 =	simm.s32 $0x400;
	s10 =	sadd.s32 $0x8C00, s8;
	s8 =	sadd.s32 $0x9400, s8;
	v4 =	vsel vm3, $0xFFFFFFFF, v0;
	vm5 =	vmmov vm7;
	[tilespmem:s25+$0x2D80] =	vst v63;
	(v2sf) =	vpush v7, $0xF  }
.LBB2_1:
0x67: {  	s13 =	sshra.s32 s14, $0x2;
	vm10 =	vmmov vm0;
	vm7 =	vmmov vm8  }
0x68: {  	vm0 =	vmmov vm2;
	v12 =	vimm.s32 $0x0;
	vm9 =	vmmov vm3;
	v49 =	vld [tilespmem:s13+$0x60]  }
0x69: {  	vm12 =	vmmov vm4;
	v5 =	vadd.s32 v5, v9;
	v9 =	vadd.s32 v11, v3;
	v3 =	vld [tilespmem:s13+$0x50]  }
0x6a: {  	v10 =	vadd.s32 v4, v10;
	v12 =	vsel vm0, $0xFFFFFFFF, v12;
	vm0 =	vgt.f32 v8, $-Inf;
	v8 =	vld [tilespmem:s13+$0x30]  }
0x6b: {  	v11 =	vsel vm5, $0xFFFFFFFF, v0;
	v14 =	vsel vm6, $0xFFFFFFFF, v0;
	v16 =	vld [tilespmem:s13+$0x0];
	vm11 =	vmor vm0, vm15  }
0x6c: {  	v13 =	vsel vm12, $0xFFFFFFFF, v0;
	v7 =	vadd.s32 v11, v7;
	v11 =	vld [tilespmem:s13+$0x20];
	v51 =	vsel vm11, $0x1, v0  }
0x6d: {  	v4 =	vsel vm7, $0xFFFFFFFF, v0;
	v15 =	vld [tilespmem:s13+$0x40];
	v1 =	vadd.s32 v14, v1;
	v6 =	vadd.s32 v13, v6;
	(xrf0) =	vadd.scan.msk.s32 $0xffff, v51;
	s16 =	spop (v2sf)  }
0x6e: {  	v50 =	vsel vm11, $0xFFFFFFFF, v0;
	vm2 =	vlt.f32 v3, $-Inf;
	vm3 =	vgt.f32 v3, $-Inf;
	s15 =	sadd.s32 s15, s16  }
0x6f: {  	vm0 =	vlt.f32 v49, $-Inf;
	vm14 =	vmor vm3, vm2;
	v4 =	vadd.s32 s15, v4  }
0x70: {  	vm1 =	vgt.f32 v49, $-Inf;
	s18 =	spop (v2sf);
	v3 =	vsel vm14, $0x1, v0;
	v4 =	vadd.s32 v2, v4;
	v2 =	vld [tilespmem:s13+$0x10]  }
0x71: {  	vm8 =	vgt.f32 v16, $-Inf;
	vm15 =	vlt.f32 v11, $-Inf;
	vm13 =	vmor vm1, vm0;
	s19 =	spop (v2sf)  }
0x72: {  	vm0 =	vlt.f32 v8, $-Inf;
	vm2 =	vgt.f32 v8, $-Inf;
	vm1 =	vlt.f32 v15, $-Inf;
	s26 =	spop (v2sf)  }
0x73: {  	v52 =	vsel vm13, $0x1, v0;
	vm0 =	vmor vm2, vm0;
	vm2 =	vlt.f32 v16, $-Inf;
	(xrf0) =	vadd.scan.msk.s32 $0xffff, v3;
	s16 =	sadd.s32 s15, s26;
	s28 =	spop (v2sf);
	v3, _, _ =	vpop (xrf0)  }
0x74: {  	vm8 =	vmor vm8, vm2;
	s17 =	sadd.s32 s16, s28;
	s29 =	spop (v2sf);
	v53 =	vadd.s32 v50, v3;
	v5 =	vadd.s32 s16, v5  }
0x75: {  	s20 =	sadd.s32 s17, s29;
	s30 =	spop (v2sf);
	v58 =	vadd.s32 s17, v10;
	vm3 =	vlt.f32 v2, $-Inf;
	vm4 =	vgt.f32 v2, $-Inf  }
0x76: {  	s19 =	sadd.s32 s20, s19;
	v2 =	vsel vm0, $0x1, v0;
	s31 =	spop (v2sf);
	(v2sf) =	vpush v3, $0xF;
	v57 =	vadd.s32 s20, v9  }
0x77: {  	s15 =	sadd.s32 s19, s30;
	vm2 =	vmor vm4, vm3;
	vm3 =	vgt.f32 v11, $-Inf;
	vm4 =	vgt.f32 v15, $-Inf  }
0x78: {  	(xrf0) =	vadd.scan.msk.s32 $0xffff, v2;
	v6 =	vadd.s32 s19, v6;
	v2 =	vadd.s32 s15, v1;
	v1 =	vsel vm8, $0x1, v0  }
0x79: {  	s18 =	sadd.s32 s15, s18;
	vm3 =	vmor vm3, vm15;
	v8 =	vsel vm2, $0x1, v0;
	vm4 =	vmor vm4, vm1  }
0x7a: {  	s15 =	sadd.s32 s18, s31;
	(xrf0) =	vadd.scan.msk.s32 $0xffff, v1;
	v54 =	vsel vm3, $0x1, v0;
	v55 =	vsel vm4, $0x1, v0;
	vm15 =	vlt.s32 v2, $0x1800  }
0x7b: {  	[tilespmem:$0x1FFE0] =	vst v12;
	v7 =	vadd.s32 s18, v7;
	v11 =	vadd.s32 s15, v53;
	v56 =	vnsel vm15, $0x1800, v2  }
0x7c: {  	v62 =	vld [tilespmem:$0x1FFE0];
	(xrf0) =	vadd.scan.msk.s32 $0xffff, v8;
	vm15 =	vlt.s32 v7, $0x1800;
	v1, _, _ =	vpop (xrf0);
	vm1 =	vlt.s32 v11, $0x1800;
	v8 =	vnsel vm6, $0x1800, v56  }
0x7d: {  	(xrf0) =	vadd.scan.msk.s32 $0xffff, v54;
	v7 =	vnsel vm15, $0x1800, v7;
	vm6 =	vlt.s32 v6, $0x1800;
	(v2sf) =	vpush v1, $0xF  }
0x7e: {  	[tilespmem:s7+$0x2DD0] =	vst v8;
	v7 =	vnsel vm5, $0x1800, v7;
	vm5 =	vlt.s32 v57, $0x1800;
	v59 =	vnsel vm6, $0x1800, v6  }
0x7f: {  	vm6 =	vlt.s32 v5, $0x1800;
	v11 =	vnsel vm1, $0x1800, v11;
	v3, _, _ =	vpop (xrf0);
	(xrf0) =	vadd.scan.msk.s32 $0xffff, v55;
	v13 =	vnsel vm5, $0x1800, v57  }
0x80: {  	v60 =	vnsel vm12, $0x1800, v59;
	vm5 =	vlt.s32 v58, $0x1800;
	v5 =	vnsel vm6, $0x1800, v5;
	v2, _, _ =	vpop (xrf0);
	(xrf0) =	vadd.scan.msk.s32 $0xffff, v52  }
0x81: {  	v8 =	vld [tilespmem:s13+$0x70];
	[tilespmem:s7+$0x2DE0] =	vst v7;
	vm6 =	vnez.u8 v62;
	(v2sf) =	vpush v3, $0xF;
	v7 =	vnsel vm10, $0x1800, v13  }
0x82: {  	p0 =	sne.s32 s14, $0x2200;
	v61 =	vnsel vm5, $0x1800, v58;
	[tilespmem:s7+$0x2DC0] =	vst v60;
	vm5 =	vlt.s32 v4, $0x1800;
	v5 =	vnsel vm6, $0x1800, v5  }
.Ltmp0:
0x83: {  	vm6 =	vmmov vm14;
	[tilespmem:s7+$0x2DB0] =	vst v7;
	v12 =	vnsel vm9, $0x1800, v61;
	(v2sf) =	vpush v2, $0xF;
	v9, _, _ =	vpop (xrf0);
	(pc) =	sbr.rel @p0 .LBB2_1-.Ltmp0, $4  }
0x84: {  	v63 =	vnsel vm5, $0x1800, v4;
	[tilespmem:s7+$0x2D90] =	vst v5;
	v5 =	vnsel vm11, $0x1800, v11;
	(v2sf) =	vpush v9, $0xF;
	v10, _, _ =	vpop (xrf0)  }
0x85: {  	v4 =	vsel vm3, $0xFFFFFFFF, v0;
	v11 =	vsel vm0, $0xFFFFFFFF, v0;
	[tilespmem:s7+$0x2DA0] =	vst v12;
	(v2sf) =	vpush v10, $0xF;
	v6, _, _ =	vpop (xrf0)  }
0x86: {  	vm5 =	vmmov vm13;
	v12 =	vnsel vm7, $0x1800, v63;
	[tilespmem:s7+$0x2DF0] =	vst v5;
	(v2sf) =	vpush v6, $0xF;
	v7, _, _ =	vpop (xrf0)  }
0x87: {  	s14 =	sadd.s32 $0x200, s14;
	v5 =	vsel vm2, $0xFFFFFFFF, v0;
	[tilespmem:s7+$0x2D80] =	vst v12;
	s7 =	smov.u32 s13;
	vm15 =	vlt.f32 v8, $-Inf;
	(v2sf) =	vpush v7, $0xF  }
0x88: {  	_ =	sdelay $0x2  }
0x89: {  	vm1 =	vgt.f32 v8, $-Inf  }
0x8a: {  	vm7 =	vmor vm1, vm15  }
0x8b: {  	v53 =	vsel vm7, $0x1, v0  }
0x8c: {  	(xrf0) =	vadd.scan.msk.s32 $0xffff, v53  }
0x8d: {  	s13 =	spop (v2sf);
	vm9 =	vmmov vm0;
	vm0 =	vmmov vm8;
	vm14 =	vmmov vm4  }
0x8e: {  	v5 =	vadd.s32 v5, v9;
	v4 =	vadd.s32 v4, v10;
	v3 =	vadd.s32 v11, v3;
	s14 =	spop (v2sf)  }
0x8f: {  	v55 =	vsel vm5, $0xFFFFFFFF, v0;
	v56 =	vsel vm6, $0xFFFFFFFF, v0;
	vm1 =	vmmov vm2;
	s16 =	spop (v2sf)  }
0x90: {  	s13 =	sadd.s32 s15, s13;
	vm2 =	vmmov vm3;
	v54 =	vsel vm0, $0xFFFFFFFF, v0;
	v57 =	vsel vm14, $0xFFFFFFFF, v0;
	s23 =	spop (v2sf)  }
0x91: {  	v1 =	vadd.s32 v56, v1;
	v7 =	vadd.s32 v55, v7;
	v8 =	vadd.s32 s13, v54;
	s15 =	sadd.s32 s13, s23;
	s17 =	spop (v2sf)  }
0x92: {  	v6 =	vadd.s32 v57, v6;
	v58 =	vsel vm7, $0xFFFFFFFF, v0;
	v2 =	vadd.s32 v2, v8;
	v59, _, _ =	vpop (xrf0);
	s17 =	sadd.s32 s15, s17;
	s18 =	spop (v2sf)  }
0x93: {  	v0 =	vadd.s32 v58, v59;
	v5 =	vadd.s32 s15, v5;
	s18 =	sadd.s32 s17, s18;
	s24 =	spop (v2sf);
	v60 =	vadd.s32 s17, v4  }
0x94: {  	vm13 =	vlt.s32 v5, $0x1800;
	s16 =	sadd.s32 s18, s16;
	s25 =	spop (v2sf);
	(v2sf) =	vpush v59, $0xF;
	v3 =	vadd.s32 s18, v3  }
0x95: {  	vm12 =	vlt.s32 v60, $0x1800;
	v6 =	vadd.s32 s16, v6;
	vm10 =	vlt.s32 v3, $0x1800  }
0x96: {  	v62 =	vnsel vm13, $0x1800, v5;
	s13 =	sadd.s32 s16, s24;
	vm11 =	vlt.s32 v6, $0x1800;
	v3 =	vnsel vm10, $0x1800, v3  }
0x97: {  	v1 =	vadd.s32 s13, v1;
	s13 =	sadd.s32 s13, s14;
	v61 =	vnsel vm11, $0x1800, v6;
	v3 =	vnsel vm9, $0x1800, v3  }
0x98: {  	vm15 =	vlt.s32 v1, $0x1800;
	v7 =	vadd.s32 s13, v7;
	v4 =	vnsel vm14, $0x1800, v61;
	[tilespmem:s7+$0x2DB0] =	vst v3  }
0x99: {  	s14 =	sadd.s32 s13, s25;
	v1 =	vnsel vm15, $0x1800, v1;
	vm8 =	vlt.s32 v7, $0x1800;
	v3 =	vnsel vm1, $0x1800, v62;
	[tilespmem:s7+$0x2DC0] =	vst v4  }
0x9a: {  	v0 =	vadd.s32 s14, v0;
	v1 =	vnsel vm6, $0x1800, v1;
	v7 =	vnsel vm8, $0x1800, v7;
	[tilespmem:s7+$0x2D90] =	vst v3  }
0x9b: {  	vm14 =	vlt.s32 v0, $0x1800;
	v7 =	vnsel vm5, $0x1800, v7;
	[tilespmem:s7+$0x2DD0] =	vst v1;
	v1 =	vnsel vm12, $0x1800, v60  }
0x9c: {  	vm15 =	vlt.s32 v2, $0x1800;
	v0 =	vnsel vm14, $0x1800, v0;
	[tilespmem:s7+$0x2DE0] =	vst v7;
	v1 =	vnsel vm2, $0x1800, v1  }
0x9d: {  	v63 =	vnsel vm15, $0x1800, v2;
	v0 =	vnsel vm7, $0x1800, v0;
	[tilespmem:s7+$0x2DA0] =	vst v1  }
0x9e: {  	v1 =	vnsel vm0, $0x1800, v63;
	[tilespmem:s7+$0x2DF0] =	vst v0  }
0x9f: {  	s26 =	simm.s32 $0x0;
	s14 =	simm.s32 $0x2D80;
	[tilespmem:s7+$0x2D80] =	vst v1;
	s7 =	simm.s32 $0x80  }
0xa0: {  	[spmem:s6] =	stream.indirect.scatter [tilespmem:s26], [sflag:$0x1], $0x1, s14, s7, $0xb8;
	[tilespmem:$0x4128] =	vst v63  }
0xa1: {  	s28 =	simm.s32 $0x900  }
0xa2: {  	[spmem:s5] =	stream.indirect.scatter [tilespmem:s28], [sflag:$0x1], $0x1, s14, s7, $0xb8;
	[tilespmem:$0x4128] =	vst v63  }
0xa3: {  	s29 =	simm.s32 $0x1200;
	s30 =	simm.s32 $0x1B00;
	s15 =	simm.s32 $0x400  }
0xa4: {  	[spmem:s4] =	stream.indirect.scatter [tilespmem:s29], [sflag:$0x1], $0x1, s14, s7, $0xb8;
	[tilespmem:$0x4128] =	vst v63  }
0xa5: {  	s16 =	simm.s32 $0x2400;
	s13 =	simm.s32 $0x80;
	s31 =	spop (v2sf)  }
0xa6: {  	[spmem:s3] =	stream.indirect.scatter [tilespmem:s30], [sflag:$0x1], $0x1, s14, s7, $0xb8;
	[tilespmem:$0x4128] =	vst v63  }
.LBB2_3:
0xa7: {  	[spmem:s2] =	stream.indirect.scatter [tilespmem:s16], [sflag:$0x1], $0x1, s14, s7, $0xb8;
	[tilespmem:$0x4128] =	vst v63  }
0xa8: {  	s14 =	smov.u32 s15  }
0xa9: {  	s18 =	sadd.s32 $0x200, s15;
	s17 =	sshra.s32 s14, $0x2;
	s14 =	sadd.s32 $0x2D80, s13  }
0xaa: {  	[spmem:s6] =	stream.indirect.scatter [tilespmem:s13], [sflag:$0x1], $0x1, s14, s7, $0xb8;
	[tilespmem:$0x4128] =	vst v63  }
0xab: {  	p0 =	sne.s32 s15, $0x2200;
	s15 =	sadd.s32 $0x900, s13  }
0xac: {  	[spmem:s5] =	stream.indirect.scatter [tilespmem:s15], [sflag:$0x1], $0x1, s14, s7, $0xb8;
	[tilespmem:$0x4128] =	vst v63  }
.Ltmp1:
0xad: {  	s15 =	sadd.s32 $0x1200, s13;
	(pc) =	sbr.rel @p0 .LBB2_3-.Ltmp1, $4  }
0xae: {  	[spmem:s4] =	stream.indirect.scatter [tilespmem:s15], [sflag:$0x1], $0x1, s14, s7, $0xb8;
	[tilespmem:$0x4128] =	vst v63  }
0xaf: {  	s15 =	sadd.s32 $0x1B00, s13  }
0xb0: {  	[spmem:s3] =	stream.indirect.scatter [tilespmem:s15], [sflag:$0x1], $0x1, s14, s7, $0xb8;
	[tilespmem:$0x4128] =	vst v63  }
0xb1: {  	s16 =	sadd.s32 $0x2400, s13;
	s13 =	smov.u32 s17;
	s15 =	smov.u32 s18  }
0xb2: {  	[spmem:s2] =	stream.indirect.scatter [tilespmem:s16], [sflag:$0x1], $0x1, s14, s7, $0xb8;
	[tilespmem:$0x4128] =	vst v63  }
0xb3: {  	s28 =	sadd.s32 $0x2D80, s13  }
0xb4: {  	[spmem:s6] =	stream.indirect.scatter [tilespmem:s13], [sflag:$0x1], $0x1, s28, s7, $0xb8;
	[tilespmem:$0x4128] =	vst v63  }
0xb5: {  	s15 =	sadd.s32 $0x900, s13  }
0xb6: {  	[spmem:s5] =	stream.indirect.scatter [tilespmem:s15], [sflag:$0x1], $0x1, s28, s7, $0xb8;
	[tilespmem:$0x4128] =	vst v63  }
0xb7: {  	s29 =	sadd.s32 $0x1200, s13  }
0xb8: {  	[spmem:s4] =	stream.indirect.scatter [tilespmem:s29], [sflag:$0x1], $0x1, s28, s7, $0xb8;
	[tilespmem:$0x4128] =	vst v63  }
0xb9: {  	s30 =	sadd.s32 $0x1B00, s13  }
0xba: {  	[spmem:s3] =	stream.indirect.scatter [tilespmem:s30], [sflag:$0x1], $0x1, s28, s7, $0xb8;
	[tilespmem:$0x4128] =	vst v63  }
0xbb: {  	s31 =	sadd.s32 $0x2400, s13  }
0xbc: {  	[spmem:s2] =	stream.indirect.scatter [tilespmem:s31], [sflag:$0x1], $0x1, s28, s7, $0xb8;
	[tilespmem:$0x4128] =	vst v63  }
0xbd: {  	s7 =	simm.s32 $0x1  }
0xbe: {  	_ =	swait.ge [sflag:s7], $0x80  }
0xbf: {  	[sflag:s7] =	ssyncset.done $0x0  }
0xc0: {  	[sflag:s7] =	ssyncadd.s32 $0xFFFFFF80  }
0xc1: {  	_ =	swait.ge [sflag:s7], $0x80  }
0xc2: {  	[sflag:s7] =	ssyncset.done $0x0  }
0xc3: {  	[sflag:s7] =	ssyncadd.s32 $0xFFFFFF80  }
0xc4: {  	_ =	swait.ge [sflag:s7], $0x80  }
0xc5: {  	[sflag:s7] =	ssyncset.done $0x0  }
0xc6: {  	[sflag:s7] =	ssyncadd.s32 $0xFFFFFF80  }
0xc7: {  	_ =	swait.ge [sflag:s7], $0x80  }
0xc8: {  	[sflag:s7] =	ssyncset.done $0x0  }
0xc9: {  	[sflag:s7] =	ssyncadd.s32 $0xFFFFFF80  }
0xca: {  	_ =	swait.ge [sflag:s7], $0x80  }
0xcb: {  	s13 =	simm.s32 $0x11;
	[sflag:s7] =	ssyncset.done $0x0  }
.LBB2_5:
0xcc: {  	p0 =	sne.s32 s13, $0x1;
	s13 =	sadd.s32 $0xFFFFFFFF, s13;
	[sflag:s7] =	ssyncadd.s32 $0xFFFFFF80  }
0xcd: {  	_ =	swait.ge [sflag:s7], $0x80  }
0xce: {  	[sflag:s7] =	ssyncset.done $0x0  }
0xcf: {  	[sflag:s7] =	ssyncadd.s32 $0xFFFFFF80  }
0xd0: {  	_ =	swait.ge [sflag:s7], $0x80  }
0xd1: {  	[sflag:s7] =	ssyncset.done $0x0  }
0xd2: {  	[sflag:s7] =	ssyncadd.s32 $0xFFFFFF80  }
0xd3: {  	_ =	swait.ge [sflag:s7], $0x80  }
0xd4: {  	[sflag:s7] =	ssyncset.done $0x0  }
0xd5: {  	[sflag:s7] =	ssyncadd.s32 $0xFFFFFF80  }
.Ltmp2:
0xd6: {  	_ =	swait.ge [sflag:s7], $0x80;
	(pc) =	sbr.rel @p0 .LBB2_5-.Ltmp2, $4  }
0xd7: {  	[sflag:s7] =	ssyncset.done $0x0  }
0xd8: {  	[sflag:s7] =	ssyncadd.s32 $0xFFFFFF80  }
0xd9: {  	_ =	swait.ge [sflag:s7], $0x80  }
0xda: {  	[sflag:s7] =	ssyncset.done $0x0  }
0xdb: {  	s13 =	smul.u32 $0x180, s0  }
0xdc: {  	[sflag:s7] =	ssyncadd.s32 $0xFFFFFF80;
	s14 =	sshll.u32 s0, $0x6;
	s28 =	simm.s32 $0x2  }
0xdd: {  	[bflag:$0x0] =	sbarrier.arrive $0xFFFF;
	s26 =	sshrl.u32 s13, $0x3;
	s6 =	sadd.s32 s13, s6  }
0xde: {  	s14 =	sor.u32 $0x1C02, s14;
	s12 =	sadd.s32 s12, s26;
	s6 =	sshrl.u32 s6, $0x3  }
0xdf: {  	[hbm:s12], [sflag:s14] =	dma.local [spmem:s6], $0x30  }
0xe0: {  	_ =	swait.ge [sflag:s28], $0x30  }
0xe1: {  	s5 =	sadd.s32 s13, s5;
	[sflag:s28] =	ssyncset.done $0x0  }
0xe2: {  	s11 =	sadd.s32 s11, s26;
	s5 =	sshrl.u32 s5, $0x3;
	[sflag:s28] =	ssyncadd.s32 $0xFFFFFFD0  }
0xe3: {  	[hbm:s11], [sflag:s14] =	dma.local [spmem:s5], $0x30  }
0xe4: {  	_ =	swait.ge [sflag:s28], $0x30  }
0xe5: {  	s4 =	sadd.s32 s13, s4;
	[sflag:s28] =	ssyncset.done $0x0  }
0xe6: {  	s29 =	sadd.s32 s10, s26;
	s4 =	sshrl.u32 s4, $0x3;
	[sflag:s28] =	ssyncadd.s32 $0xFFFFFFD0  }
0xe7: {  	[hbm:s29], [sflag:s14] =	dma.local [spmem:s4], $0x30  }
0xe8: {  	_ =	swait.ge [sflag:s28], $0x30  }
0xe9: {  	s3 =	sadd.s32 s13, s3;
	[sflag:s28] =	ssyncset.done $0x0  }
0xea: {  	s30 =	sadd.s32 s9, s26;
	s3 =	sshrl.u32 s3, $0x3;
	[sflag:s28] =	ssyncadd.s32 $0xFFFFFFD0  }
0xeb: {  	[hbm:s30], [sflag:s14] =	dma.local [spmem:s3], $0x30  }
0xec: {  	_ =	swait.ge [sflag:s28], $0x30  }
0xed: {  	s2 =	sadd.s32 s13, s2;
	[sflag:s28] =	ssyncset.done $0x0  }
0xee: {  	s31 =	sadd.s32 s8, s26;
	s2 =	sshrl.u32 s2, $0x3;
	[sflag:s28] =	ssyncadd.s32 $0xFFFFFFD0  }
0xef: {  	[hbm:s31], [sflag:s14] =	dma.local [spmem:s2], $0x30  }
0xf0: {  	_ =	swait.ge [sflag:s28], $0x30  }
0xf1: {  	[sflag:s28] =	ssyncset.done $0x0  }
0xf2: {  	[sflag:s28] =	ssyncadd.s32 $0xFFFFFFD0  }
0xf3: {  	_ =	sfence.sel $0x180000  }
0xf4: {  	[bflag:$0x0] =	sbarrier.arrive $0xFFFF  }
0xf5: {  	p0 =	sne.s32 s0, $0x0;
	_ =	strace $0x90000047  }
0xf6: {  	s0 =	sadd.s32 @!p0 $0x100000, s1;
	[bflag:$0x2] =	sbarrier.arrive $0xFFFF  }
0xf7: {  	[sflag:s0] =	ssyncadd.tile.s32 @!p0 $0x1;
	_ =	shalt  }
.Lfunc_end2:
_tile_overlayer_lowered:
.L_overlay_start_2:
0xf8: {  	(tag) =	ssettag $0x2  }
0xf9: {  	s0 =	rddreg [dreg:$0x0];
	s2 =	stileid.u32  }
0xfa: {  	s1 =	rddreg [dreg:$0x1];
	p0 =	sne.s32 s2, $0x0  }
0xfb: {  	s3 =	rddreg [dreg:$0x2];
	[bflag:$0x3] =	sbarrier.arrive $0xFFFF;
	s2 =	simm.s32 @!p0 $0x1C02  }
0xfc: {  	[timem:s3], [sflag:s2] =	dma.local @!p0 [hbm:s0], s1  }
0xfd: {  	s0 =	simm.s32 @!p0 $0x2  }
0xfe: {  	_ =	swait.ge @!p0 [sflag:s0], s1  }
0xff: {  	s1 =	ssub.s32 @!p0 $0x0, s1;
	[sflag:s0] =	ssyncset.done @!p0 $0x0  }
0x100: {  	[sflag:s0] =	ssyncadd.s32 @!p0 s1  }
0x101: {  	[bflag:$0x3] =	sbarrier.arrive $0xFFFF  }
0x102: {  	_ =	shalt  }

</sc_bundles>
